<compile_context>
chip_gen: v7x
topology: tpu7x:2x2x1
jax: 0.10.2.dev20260603
libtpu: 0.0.44.dev20260713+nightly
codegen_flags: <defaults>
</compile_context>

<pallas_src>
import dataclasses
import functools

import jax
import jax.numpy as jnp
from jax import lax
from jax.experimental import pallas as pl
from jax.experimental.pallas import tpu as pltpu
from jax.experimental.pallas import tpu_sc as plsc

NC = 2
NS = 16
NW = NC * NS


def _sc_scatter_mean_partials(edge_index, edge_attr, n_nodes):
  E, D = edge_attr.shape
  EPW = E // NW
  CH = 80
  NCHUNK = EPW // CH
  assert EPW % CH == 0 and E % NW == 0
  CHR = 80
  NCHR = pl.cdiv(n_nodes, CHR)
  assert n_nodes % CHR == 0 and CHR == CH
  NP = NS * CHR
  assert NP * 8 >= n_nodes

  mesh = plsc.VectorSubcoreMesh(core_axis_name="c", subcore_axis_name="s")

  cp = pltpu.CompilerParams()
  if "needs_layout_passes" in pltpu.CompilerParams.__dataclass_fields__:
    cp = dataclasses.replace(cp, needs_layout_passes=False)

  @functools.partial(
      pl.kernel,
      compiler_params=cp,
      out_type=(
          jax.ShapeDtypeStruct((NC, n_nodes, D), jnp.float32),
          jax.ShapeDtypeStruct((NC, NP, D), jnp.float32),
      ),
      mesh=mesh,
      scratch_types=[
          pltpu.VMEM_SHARED((n_nodes, D), jnp.float32),
          pltpu.VMEM_SHARED((NP, D), jnp.float32),
          pltpu.VMEM((CH,), jnp.int32),
          pltpu.VMEM((CH,), jnp.int32),
          pltpu.VMEM((CH,), jnp.int32),
          pltpu.VMEM((CH,), jnp.int32),
          pltpu.VMEM((CH, D), jnp.float32),
          pltpu.VMEM((CH, D), jnp.float32),
          pltpu.VMEM((CH, D), jnp.float32),
          pltpu.SemaphoreType.DMA,
          pltpu.SemaphoreType.DMA,
          pltpu.SemaphoreType.DMA,
      ],
  )
  def k(src_hbm, attr_hbm, sums_hbm, cnts_hbm,
        acc, cacc, idx0, idx1, pidx0, pidx1, rows0, rows1, ones,
        sem0, sem1, sem2):
    c = lax.axis_index("c")
    s = lax.axis_index("s")
    wid = s * NC + c
    base = wid * EPW

    zvec = jnp.zeros((16,), jnp.float32)

    @pl.loop(0, CHR)
    def _(i):
      @pl.loop(0, D, step=16)
      def _(j):
        rows0[i, pl.ds(j, 16)] = zvec
        ones[i, pl.ds(j, 16)] = zvec

    for j in range(pl.cdiv(NCHR, NS)):
      cid = j * NS + s

      @pl.when(cid < NCHR)
      def _():
        pltpu.sync_copy(rows0, acc.at[pl.ds(cid * CHR, CHR)])

    pltpu.sync_copy(ones, cacc.at[pl.ds(s * CHR, CHR)])
    plsc.subcore_barrier()

    idx_bufs = (idx0, idx1)
    pidx_bufs = (pidx0, pidx1)
    row_bufs = (rows0, rows1)
    sems = (sem0, sem1)
    lane16 = lax.iota(jnp.int32, 16)
    ones16 = jnp.full((16,), 1.0, jnp.float32)

    def start(kchunk, b):
      off = base + kchunk * CH
      pltpu.async_copy(src_hbm.at[pl.ds(off, CH)], idx_bufs[b], sems[b])
      pltpu.async_copy(attr_hbm.at[pl.ds(off, CH)], row_bufs[b], sems[b])

    def wait(kchunk, b):
      off = base + kchunk * CH
      pltpu.make_async_copy(
          src_hbm.at[pl.ds(off, CH)], idx_bufs[b], sems[b]).wait()
      pltpu.make_async_copy(
          attr_hbm.at[pl.ds(off, CH)], row_bufs[b], sems[b]).wait()

    def scatter(b):
      for g in range(CH // 16):
        v = idx_bufs[b][pl.ds(g * 16, 16)]
        pidx_bufs[b][pl.ds(g * 16, 16)] = lax.shift_right_logical(v, 3)
        cols = lax.mul(lax.bitwise_and(v, 7), 16)
        plsc.store_scatter(ones, [lane16 + g * 16, cols], ones16)
      d = pltpu.async_copy(row_bufs[b], acc.at[idx_bufs[b]], sem2,
                           add=True)
      pltpu.sync_copy(ones, cacc.at[pidx_bufs[b]], add=True)
      d.wait()
      for g in range(CH // 16):
        v = idx_bufs[b][pl.ds(g * 16, 16)]
        cols = lax.mul(lax.bitwise_and(v, 7), 16)
        plsc.store_scatter(ones, [lane16 + g * 16, cols], zvec)

    start(0, 0)

    @pl.loop(0, NCHUNK - 1, step=2)
    def _(kc):
      start(kc + 1, 1)
      wait(kc, 0)
      scatter(0)
      start(kc + 2, 0)
      wait(kc + 1, 1)
      scatter(1)

    wait(NCHUNK - 1, 0)
    scatter(0)

    plsc.subcore_barrier()
    for j in range(pl.cdiv(NCHR, NS)):
      cid = j * NS + s

      @pl.when(cid < NCHR)
      def _():
        pltpu.sync_copy(acc.at[pl.ds(cid * CHR, CHR)],
                        sums_hbm.at[c, pl.ds(cid * CHR, CHR)])

    pltpu.sync_copy(cacc.at[pl.ds(s * CHR, CHR)],
                    cnts_hbm.at[c, pl.ds(s * CHR, CHR)])

  return k(edge_index.reshape(-1), edge_attr)


def _dot(a, b):
  return jnp.dot(a, b, precision=lax.Precision.DEFAULT,
                 preferred_element_type=jnp.float32)


def _bn_affine(r, g, be, eps=1e-5):
  mu = jnp.mean(r, axis=0, keepdims=True)
  var = jnp.mean(r * r, axis=0, keepdims=True) - mu * mu
  a = g / jnp.sqrt(var + eps)
  return a, be - a * mu


def _tc_body(sums_ref, cnts_ref, x_ref, batch_ref, u_ref,
             w0_ref, b0_ref, w1_ref, b1_ref,
             w2_ref, b2_ref, g0_ref, be0_ref, g1_ref, be1_ref,
             g2_ref, be2_ref, out_ref):
  dim = x_ref.shape[1]
  sums = sums_ref[...]
  cnts = cnts_ref[...]
  cnt = jnp.sum(cnts[0], axis=1, keepdims=True) + jnp.sum(
      cnts[1], axis=1, keepdims=True)
  v_e = (sums[0] + sums[1]) / jnp.maximum(cnt, 1.0)

  batch = batch_ref[...]
  n_graphs = u_ref.shape[0]
  onehot = (batch == lax.broadcasted_iota(
      jnp.int32, (1, n_graphs), 1)).astype(jnp.float32)
  uw = _dot(u_ref[...], w0_ref[2 * dim:, :])

  r = jnp.maximum(
      _dot(x_ref[...], w0_ref[:dim, :]) + _dot(v_e, w0_ref[dim:2 * dim, :])
      + _dot(onehot, uw) + b0_ref[...], 0.0)
  a, c = _bn_affine(r, g0_ref[...], be0_ref[...])
  w1 = a.reshape(-1, 1) * w1_ref[...]
  r = jnp.maximum(_dot(r, w1) + (_dot(c, w1_ref[...]) + b1_ref[...]), 0.0)
  a, c = _bn_affine(r, g1_ref[...], be1_ref[...])
  w2 = a.reshape(-1, 1) * w2_ref[...]
  r = jnp.maximum(_dot(r, w2) + (_dot(c, w2_ref[...]) + b2_ref[...]), 0.0)
  a, c = _bn_affine(r, g2_ref[...], be2_ref[...])
  out_ref[...] = a * r + c


def kernel(x, edge_index, edge_attr, u, batch, W0, b0, W1, b1, W2, b2,
           g0, be0, g1, be1, g2, be2):
  n, dim = x.shape

  sums, cnts_packed = _sc_scatter_mean_partials(edge_index, edge_attr, n)
  npk = cnts_packed.shape[1]
  cnts = cnts_packed.reshape(2, npk * 8, 16)[:, :n, :]

  row = lambda v: v.reshape(1, -1)

  out = pl.pallas_call(
      _tc_body,
      out_shape=jax.ShapeDtypeStruct((n, dim), jnp.float32),
  )(sums, cnts, x, batch.reshape(n, 1), u,
    W0, row(b0), W1, row(b1), W2, row(b2),
    row(g0), row(be0), row(g1), row(be1), row(g2), row(be2))
  return out

# --- scband reference (transcript-rebuilt; emitter-appended) ---
"""Pipeline reference for scband-megnet-node-model-62689342653098 (READ-ONLY COPY).

The authoritative reference and input builder live on the scoring server;
editing this copy changes nothing except your own understanding.
"""

import jax, jax.numpy as jnp
import numpy as np

N_NODES = 10000
N_EDGES = 320000
DIM = 128
N_GRAPHS = 64


def setup_inputs(seed: int = 0) -> dict:
    key = jax.random.key(seed)
    ks = jax.random.split(key, 20)
    x = jax.random.normal(ks[0], (N_NODES, DIM), dtype=jnp.float32)
    edge_index = jax.random.randint(ks[1], (2, N_EDGES), 0, N_NODES, dtype=jnp.int32)
    edge_attr = jax.random.normal(ks[2], (N_EDGES, DIM), dtype=jnp.float32)
    u = jax.random.normal(ks[3], (N_GRAPHS, DIM), dtype=jnp.float32)
    batch = jnp.sort(jax.random.randint(ks[4], (N_NODES,), 0, N_GRAPHS, dtype=jnp.int32))
    # MLP params: layer0 (3*dim -> dim), layer1 (dim -> dim), layer2 (dim -> dim)
    W0 = jax.random.normal(ks[5], (3 * DIM, DIM), dtype=jnp.float32) * 0.02
    b0 = jnp.zeros((DIM,), dtype=jnp.float32)
    W1 = jax.random.normal(ks[6], (DIM, DIM), dtype=jnp.float32) * 0.02
    b1 = jnp.zeros((DIM,), dtype=jnp.float32)
    W2 = jax.random.normal(ks[7], (DIM, DIM), dtype=jnp.float32) * 0.02
    b2 = jnp.zeros((DIM,), dtype=jnp.float32)
    # BatchNorm affine params per layer
    g0 = jnp.ones((DIM,), dtype=jnp.float32)
    be0 = jnp.zeros((DIM,), dtype=jnp.float32)
    g1 = jnp.ones((DIM,), dtype=jnp.float32)
    be1 = jnp.zeros((DIM,), dtype=jnp.float32)
    g2 = jnp.ones((DIM,), dtype=jnp.float32)
    be2 = jnp.zeros((DIM,), dtype=jnp.float32)
    return {"x": x, "edge_index": edge_index, "edge_attr": edge_attr, "u": u, "batch": batch,
            "W0": W0, "b0": b0, "W1": W1, "b1": b1, "W2": W2, "b2": b2,
            "g0": g0, "be0": be0, "g1": g1, "be1": be1, "g2": g2, "be2": be2}


def _batch_norm(h, g, b, eps=1e-5):
    mu = jnp.mean(h, axis=0)
    var = jnp.var(h, axis=0)
    return g * (h - mu) / jnp.sqrt(var + eps) + b


def reference(x, edge_index, edge_attr, u, batch, W0, b0, W1, b1, W2, b2, g0, be0, g1, be1, g2, be2):
    n = x.shape[0]
    src = edge_index[0, :]
    # scatter_mean(edge_attr, edge_index[0], dim=0)
    sums = jax.ops.segment_sum(edge_attr, src, num_segments=n)
    counts = jax.ops.segment_sum(jnp.ones((edge_attr.shape[0], 1), dtype=edge_attr.dtype), src, num_segments=n)
    v_e = sums / jnp.maximum(counts, 1.0)
    comb = jnp.concatenate([x, v_e, u[batch]], axis=1)
    # layer 0
    out = jax.nn.relu(comb @ W0 + b0)
    out = _batch_norm(out, g0, be0)
    # layer 1
    out = jax.nn.relu(out @ W1 + b1)
    out = _batch_norm(out, g1, be1)
    # layer 2
    out = jax.nn.relu(out @ W2 + b2)
    out = _batch_norm(out, g2, be2)
    return out

if __name__ == "__main__":
    import jax
    _d = setup_inputs()
    print(jax.jit(kernel)(*tuple(_d.values())))

</pallas_src>

<mosaic_0001>
#map = affine_map<(d0, d1) -> (0)>
#map1 = affine_map<(d0, d1) -> (0, 0)>
#map2 = affine_map<(d0, d1) -> (0, 0, 0)>
module attributes {stable_mosaic.version = 14 : i64} {
  func.func @k(%arg0: i32, %arg1: i32, %arg2: memref<640000xi32, #tpu.memory_space<hbm>>, %arg3: memref<320000x128xf32, #tpu.memory_space<hbm>>, %arg4: memref<2x10000x128xf32, #tpu.memory_space<hbm>>, %arg5: memref<2x1280x128xf32, #tpu.memory_space<hbm>>, %arg6: memref<10000x128xf32, #tpu.memory_space<vmem_shared>>, %arg7: memref<1280x128xf32, #tpu.memory_space<vmem_shared>>, %arg8: memref<80xi32, #tpu.memory_space<vmem>>, %arg9: memref<80xi32, #tpu.memory_space<vmem>>, %arg10: memref<80xi32, #tpu.memory_space<vmem>>, %arg11: memref<80xi32, #tpu.memory_space<vmem>>, %arg12: memref<80x128xf32, #tpu.memory_space<vmem>>, %arg13: memref<80x128xf32, #tpu.memory_space<vmem>>, %arg14: memref<80x128xf32, #tpu.memory_space<vmem>>, %arg15: memref<!tpu.dma_semaphore, #tpu.memory_space<semaphore_mem>>, %arg16: memref<!tpu.dma_semaphore, #tpu.memory_space<semaphore_mem>>, %arg17: memref<!tpu.dma_semaphore, #tpu.memory_space<semaphore_mem>>) attributes {dimension_semantics = [#tpu.dimension_semantics<core_parallel>, #tpu.dimension_semantics<subcore_parallel>], iteration_bounds = array<i64: 2, 16>, scalar_prefetch = 0 : i64, scratch_operands = 12 : i64, tpu.core_type = #tpu.core_type<sc_vector_subcore>, window_params = [{transform_indices = #map}, {transform_indices = #map1}, {transform_indices = #map2}, {transform_indices = #map2}]} {
    %mul3A = arith.constant 2 : i32
    %mul3A_0 = arith.muli %arg1, %mul3A : i32
    %add3A = arith.addi %mul3A_0, %arg0 : i32
    %mul3A_1 = arith.constant 10000 : i32
    %mul3A_2 = arith.muli %add3A, %mul3A_1 : i32
    %broadcast_in_dim3A = arith.constant 0.000000e+00 : f32
    %broadcast_in_dim3A_3 = vector.broadcast %broadcast_in_dim3A : f32 to vector<16xf32>
    %scan3A = arith.constant 0 : i32
    %scan3A_4 = arith.constant 80 : i32
    %scan3A_5 = arith.addi %scan3A, %scan3A_4 : i32
    %scan3A_6 = arith.constant 1 : i32
    scf.for %scan3A_282 = %scan3A to %scan3A_5 step %scan3A_6  : i32 {
      %mul3A_283 = arith.constant 1 : i32
      %mul3A_284 = arith.muli %scan3A_282, %mul3A_283 : i32
      %add3A_285 = arith.constant 0 : i32
      %add3A_286 = arith.addi %add3A_285, %mul3A_284 : i32
      %scan3A_287 = arith.constant 0 : i32
      %scan3A_288 = arith.constant 8 : i32
      %scan3A_289 = arith.addi %scan3A_287, %scan3A_288 : i32
      %scan3A_290 = arith.constant 1 : i32
      scf.for %scan3A_292 = %scan3A_287 to %scan3A_289 step %scan3A_290  : i32 {
        %mul3A_293 = arith.constant 16 : i32
        %mul3A_294 = arith.muli %scan3A_292, %mul3A_293 : i32
        %add3A_295 = arith.constant 0 : i32
        %add3A_296 = arith.addi %add3A_295, %mul3A_294 : i32
        %swap3A_297 = arith.index_cast %add3A_286 : i32 to index
        %swap3A_298 = arith.index_cast %add3A_296 : i32 to index
        %swap3A_299 = tpu.vector_load %arg12[%swap3A_297, %swap3A_298] {strides = array<i32>} : memref<80x128xf32, #tpu.memory_space<vmem>>, vector<16xf32>,
        tpu.vector_store %arg12[%swap3A_297, %swap3A_298], %broadcast_in_dim3A_3 {strides = array<i32>} : memref<80x128xf32, #tpu.memory_space<vmem>>, vector<16xf32>,
        %swap3A_300 = arith.index_cast %add3A_286 : i32 to index
        %swap3A_301 = arith.index_cast %add3A_296 : i32 to index
        %swap3A_302 = tpu.vector_load %arg14[%swap3A_300, %swap3A_301] {strides = array<i32>} : memref<80x128xf32, #tpu.memory_space<vmem>>, vector<16xf32>,
        tpu.vector_store %arg14[%swap3A_300, %swap3A_301], %broadcast_in_dim3A_3 {strides = array<i32>} : memref<80x128xf32, #tpu.memory_space<vmem>>, vector<16xf32>,
      }
      %scan3A_291 = arith.constant 8 : i32
    }
    %scan3A_7 = arith.constant 80 : i32
    %add3A_8 = arith.constant 0 : i32
    %add3A_9 = arith.addi %add3A_8, %arg1 : i32
    %lt3A = arith.constant 125 : i32
    %lt3A_10 = arith.cmpi slt, %add3A_9, %lt3A : i32
    %convert_element_type3A = arith.extui %lt3A_10 : i1 to i32
    %cond3A = arith.constant 0 : i32
    %cond3A_11 = arith.cmpi ne, %convert_element_type3A, %cond3A : i32
    scf.if %cond3A_11 {
      %mul3A_282 = arith.constant 80 : i32
      %mul3A_283 = arith.muli %add3A_9, %mul3A_282 : i32
      "tpu.region"() ({
        %run_scoped3A = tpu.sem_alloc : memref<!tpu.dma_semaphore, #tpu.memory_space<semaphore_mem>>
        %dma_start3A_284 = arith.constant 0 : i32
        %dma_start3A_285 = tpu.memref_slice %arg6[%mul3A_283, %dma_start3A_284] : memref<10000x128xf32, #tpu.memory_space<vmem_shared>> -> memref<80x128xf32, #tpu.memory_space<vmem_shared>>
        %dma_start3A_286 = arith.constant 0 : i32
        %dma_start3A_287 = tpu.memref_slice %arg6[%mul3A_283, %dma_start3A_286] : memref<10000x128xf32, #tpu.memory_space<vmem_shared>> -> memref<80x128xf32, #tpu.memory_space<vmem_shared>>
        tpu.enqueue_dma source(%arg12 : memref<80x128xf32, #tpu.memory_space<vmem>>) target(%dma_start3A_287 : memref<80x128xf32, #tpu.memory_space<vmem_shared>>) target_semaphore(%run_scoped3A : memref<!tpu.dma_semaphore, #tpu.memory_space<semaphore_mem>>)
        %dma_wait3A_288 = arith.constant 0 : i32
        %dma_wait3A_289 = tpu.memref_slice %arg6[%mul3A_283, %dma_wait3A_288] : memref<10000x128xf32, #tpu.memory_space<vmem_shared>> -> memref<80x128xf32, #tpu.memory_space<vmem_shared>>
        %dma_wait3A_290 = arith.constant 0 : i32
        %dma_wait3A_291 = tpu.memref_slice %arg6[%mul3A_283, %dma_wait3A_290] : memref<10000x128xf32, #tpu.memory_space<vmem_shared>> -> memref<80x128xf32, #tpu.memory_space<vmem_shared>>
        tpu.wait_dma2 semaphore(%run_scoped3A : memref<!tpu.dma_semaphore, #tpu.memory_space<semaphore_mem>>) src(%arg12 : memref<80x128xf32, #tpu.memory_space<vmem>>) dst(%dma_wait3A_291 : memref<80x128xf32, #tpu.memory_space<vmem_shared>>)
        tpu.yield
      }) : () -> ()
    } else {
    }
    %add3A_12 = arith.constant 16 : i32
    %add3A_13 = arith.addi %add3A_12, %arg1 : i32
    %lt3A_14 = arith.constant 125 : i32
    %lt3A_15 = arith.cmpi slt, %add3A_13, %lt3A_14 : i32
    %convert_element_type3A_16 = arith.extui %lt3A_15 : i1 to i32
    %cond3A_17 = arith.constant 0 : i32
    %cond3A_18 = arith.cmpi ne, %convert_element_type3A_16, %cond3A_17 : i32
    scf.if %cond3A_18 {
      %mul3A_282 = arith.constant 80 : i32
      %mul3A_283 = arith.muli %add3A_13, %mul3A_282 : i32
      "tpu.region"() ({
        %run_scoped3A = tpu.sem_alloc : memref<!tpu.dma_semaphore, #tpu.memory_space<semaphore_mem>>
        %dma_start3A_284 = arith.constant 0 : i32
        %dma_start3A_285 = tpu.memref_slice %arg6[%mul3A_283, %dma_start3A_284] : memref<10000x128xf32, #tpu.memory_space<vmem_shared>> -> memref<80x128xf32, #tpu.memory_space<vmem_shared>>
        %dma_start3A_286 = arith.constant 0 : i32
        %dma_start3A_287 = tpu.memref_slice %arg6[%mul3A_283, %dma_start3A_286] : memref<10000x128xf32, #tpu.memory_space<vmem_shared>> -> memref<80x128xf32, #tpu.memory_space<vmem_shared>>
        tpu.enqueue_dma source(%arg12 : memref<80x128xf32, #tpu.memory_space<vmem>>) target(%dma_start3A_287 : memref<80x128xf32, #tpu.memory_space<vmem_shared>>) target_semaphore(%run_scoped3A : memref<!tpu.dma_semaphore, #tpu.memory_space<semaphore_mem>>)
        %dma_wait3A_288 = arith.constant 0 : i32
        %dma_wait3A_289 = tpu.memref_slice %arg6[%mul3A_283, %dma_wait3A_288] : memref<10000x128xf32, #tpu.memory_space<vmem_shared>> -> memref<80x128xf32, #tpu.memory_space<vmem_shared>>
        %dma_wait3A_290 = arith.constant 0 : i32
        %dma_wait3A_291 = tpu.memref_slice %arg6[%mul3A_283, %dma_wait3A_290] : memref<10000x128xf32, #tpu.memory_space<vmem_shared>> -> memref<80x128xf32, #tpu.memory_space<vmem_shared>>
        tpu.wait_dma2 semaphore(%run_scoped3A : memref<!tpu.dma_semaphore, #tpu.memory_space<semaphore_mem>>) src(%arg12 : memref<80x128xf32, #tpu.memory_space<vmem>>) dst(%dma_wait3A_291 : memref<80x128xf32, #tpu.memory_space<vmem_shared>>)
        tpu.yield
      }) : () -> ()
    } else {
    }
    %add3A_19 = arith.constant 32 : i32
    %add3A_20 = arith.addi %add3A_19, %arg1 : i32
    %lt3A_21 = arith.constant 125 : i32
    %lt3A_22 = arith.cmpi slt, %add3A_20, %lt3A_21 : i32
    %convert_element_type3A_23 = arith.extui %lt3A_22 : i1 to i32
    %cond3A_24 = arith.constant 0 : i32
    %cond3A_25 = arith.cmpi ne, %convert_element_type3A_23, %cond3A_24 : i32
    scf.if %cond3A_25 {
      %mul3A_282 = arith.constant 80 : i32
      %mul3A_283 = arith.muli %add3A_20, %mul3A_282 : i32
      "tpu.region"() ({
        %run_scoped3A = tpu.sem_alloc : memref<!tpu.dma_semaphore, #tpu.memory_space<semaphore_mem>>
        %dma_start3A_284 = arith.constant 0 : i32
        %dma_start3A_285 = tpu.memref_slice %arg6[%mul3A_283, %dma_start3A_284] : memref<10000x128xf32, #tpu.memory_space<vmem_shared>> -> memref<80x128xf32, #tpu.memory_space<vmem_shared>>
        %dma_start3A_286 = arith.constant 0 : i32
        %dma_start3A_287 = tpu.memref_slice %arg6[%mul3A_283, %dma_start3A_286] : memref<10000x128xf32, #tpu.memory_space<vmem_shared>> -> memref<80x128xf32, #tpu.memory_space<vmem_shared>>
        tpu.enqueue_dma source(%arg12 : memref<80x128xf32, #tpu.memory_space<vmem>>) target(%dma_start3A_287 : memref<80x128xf32, #tpu.memory_space<vmem_shared>>) target_semaphore(%run_scoped3A : memref<!tpu.dma_semaphore, #tpu.memory_space<semaphore_mem>>)
        %dma_wait3A_288 = arith.constant 0 : i32
        %dma_wait3A_289 = tpu.memref_slice %arg6[%mul3A_283, %dma_wait3A_288] : memref<10000x128xf32, #tpu.memory_space<vmem_shared>> -> memref<80x128xf32, #tpu.memory_space<vmem_shared>>
        %dma_wait3A_290 = arith.constant 0 : i32
        %dma_wait3A_291 = tpu.memref_slice %arg6[%mul3A_283, %dma_wait3A_290] : memref<10000x128xf32, #tpu.memory_space<vmem_shared>> -> memref<80x128xf32, #tpu.memory_space<vmem_shared>>
        tpu.wait_dma2 semaphore(%run_scoped3A : memref<!tpu.dma_semaphore, #tpu.memory_space<semaphore_mem>>) src(%arg12 : memref<80x128xf32, #tpu.memory_space<vmem>>) dst(%dma_wait3A_291 : memref<80x128xf32, #tpu.memory_space<vmem_shared>>)
        tpu.yield
      }) : () -> ()
    } else {
    }
    %add3A_26 = arith.constant 48 : i32
    %add3A_27 = arith.addi %add3A_26, %arg1 : i32
    %lt3A_28 = arith.constant 125 : i32
    %lt3A_29 = arith.cmpi slt, %add3A_27, %lt3A_28 : i32
    %convert_element_type3A_30 = arith.extui %lt3A_29 : i1 to i32
    %cond3A_31 = arith.constant 0 : i32
    %cond3A_32 = arith.cmpi ne, %convert_element_type3A_30, %cond3A_31 : i32
    scf.if %cond3A_32 {
      %mul3A_282 = arith.constant 80 : i32
      %mul3A_283 = arith.muli %add3A_27, %mul3A_282 : i32
      "tpu.region"() ({
        %run_scoped3A = tpu.sem_alloc : memref<!tpu.dma_semaphore, #tpu.memory_space<semaphore_mem>>
        %dma_start3A_284 = arith.constant 0 : i32
        %dma_start3A_285 = tpu.memref_slice %arg6[%mul3A_283, %dma_start3A_284] : memref<10000x128xf32, #tpu.memory_space<vmem_shared>> -> memref<80x128xf32, #tpu.memory_space<vmem_shared>>
        %dma_start3A_286 = arith.constant 0 : i32
        %dma_start3A_287 = tpu.memref_slice %arg6[%mul3A_283, %dma_start3A_286] : memref<10000x128xf32, #tpu.memory_space<vmem_shared>> -> memref<80x128xf32, #tpu.memory_space<vmem_shared>>
        tpu.enqueue_dma source(%arg12 : memref<80x128xf32, #tpu.memory_space<vmem>>) target(%dma_start3A_287 : memref<80x128xf32, #tpu.memory_space<vmem_shared>>) target_semaphore(%run_scoped3A : memref<!tpu.dma_semaphore, #tpu.memory_space<semaphore_mem>>)
        %dma_wait3A_288 = arith.constant 0 : i32
        %dma_wait3A_289 = tpu.memref_slice %arg6[%mul3A_283, %dma_wait3A_288] : memref<10000x128xf32, #tpu.memory_space<vmem_shared>> -> memref<80x128xf32, #tpu.memory_space<vmem_shared>>
        %dma_wait3A_290 = arith.constant 0 : i32
        %dma_wait3A_291 = tpu.memref_slice %arg6[%mul3A_283, %dma_wait3A_290] : memref<10000x128xf32, #tpu.memory_space<vmem_shared>> -> memref<80x128xf32, #tpu.memory_space<vmem_shared>>
        tpu.wait_dma2 semaphore(%run_scoped3A : memref<!tpu.dma_semaphore, #tpu.memory_space<semaphore_mem>>) src(%arg12 : memref<80x128xf32, #tpu.memory_space<vmem>>) dst(%dma_wait3A_291 : memref<80x128xf32, #tpu.memory_space<vmem_shared>>)
        tpu.yield
      }) : () -> ()
    } else {
    }
    %add3A_33 = arith.constant 64 : i32
    %add3A_34 = arith.addi %add3A_33, %arg1 : i32
    %lt3A_35 = arith.constant 125 : i32
    %lt3A_36 = arith.cmpi slt, %add3A_34, %lt3A_35 : i32
    %convert_element_type3A_37 = arith.extui %lt3A_36 : i1 to i32
    %cond3A_38 = arith.constant 0 : i32
    %cond3A_39 = arith.cmpi ne, %convert_element_type3A_37, %cond3A_38 : i32
    scf.if %cond3A_39 {
      %mul3A_282 = arith.constant 80 : i32
      %mul3A_283 = arith.muli %add3A_34, %mul3A_282 : i32
      "tpu.region"() ({
        %run_scoped3A = tpu.sem_alloc : memref<!tpu.dma_semaphore, #tpu.memory_space<semaphore_mem>>
        %dma_start3A_284 = arith.constant 0 : i32
        %dma_start3A_285 = tpu.memref_slice %arg6[%mul3A_283, %dma_start3A_284] : memref<10000x128xf32, #tpu.memory_space<vmem_shared>> -> memref<80x128xf32, #tpu.memory_space<vmem_shared>>
        %dma_start3A_286 = arith.constant 0 : i32
        %dma_start3A_287 = tpu.memref_slice %arg6[%mul3A_283, %dma_start3A_286] : memref<10000x128xf32, #tpu.memory_space<vmem_shared>> -> memref<80x128xf32, #tpu.memory_space<vmem_shared>>
        tpu.enqueue_dma source(%arg12 : memref<80x128xf32, #tpu.memory_space<vmem>>) target(%dma_start3A_287 : memref<80x128xf32, #tpu.memory_space<vmem_shared>>) target_semaphore(%run_scoped3A : memref<!tpu.dma_semaphore, #tpu.memory_space<semaphore_mem>>)
        %dma_wait3A_288 = arith.constant 0 : i32
        %dma_wait3A_289 = tpu.memref_slice %arg6[%mul3A_283, %dma_wait3A_288] : memref<10000x128xf32, #tpu.memory_space<vmem_shared>> -> memref<80x128xf32, #tpu.memory_space<vmem_shared>>
        %dma_wait3A_290 = arith.constant 0 : i32
        %dma_wait3A_291 = tpu.memref_slice %arg6[%mul3A_283, %dma_wait3A_290] : memref<10000x128xf32, #tpu.memory_space<vmem_shared>> -> memref<80x128xf32, #tpu.memory_space<vmem_shared>>
        tpu.wait_dma2 semaphore(%run_scoped3A : memref<!tpu.dma_semaphore, #tpu.memory_space<semaphore_mem>>) src(%arg12 : memref<80x128xf32, #tpu.memory_space<vmem>>) dst(%dma_wait3A_291 : memref<80x128xf32, #tpu.memory_space<vmem_shared>>)
        tpu.yield
      }) : () -> ()
    } else {
    }
    %add3A_40 = arith.constant 80 : i32
    %add3A_41 = arith.addi %add3A_40, %arg1 : i32
    %lt3A_42 = arith.constant 125 : i32
    %lt3A_43 = arith.cmpi slt, %add3A_41, %lt3A_42 : i32
    %convert_element_type3A_44 = arith.extui %lt3A_43 : i1 to i32
    %cond3A_45 = arith.constant 0 : i32
    %cond3A_46 = arith.cmpi ne, %convert_element_type3A_44, %cond3A_45 : i32
    scf.if %cond3A_46 {
      %mul3A_282 = arith.constant 80 : i32
      %mul3A_283 = arith.muli %add3A_41, %mul3A_282 : i32
      "tpu.region"() ({
        %run_scoped3A = tpu.sem_alloc : memref<!tpu.dma_semaphore, #tpu.memory_space<semaphore_mem>>
        %dma_start3A_284 = arith.constant 0 : i32
        %dma_start3A_285 = tpu.memref_slice %arg6[%mul3A_283, %dma_start3A_284] : memref<10000x128xf32, #tpu.memory_space<vmem_shared>> -> memref<80x128xf32, #tpu.memory_space<vmem_shared>>
        %dma_start3A_286 = arith.constant 0 : i32
        %dma_start3A_287 = tpu.memref_slice %arg6[%mul3A_283, %dma_start3A_286] : memref<10000x128xf32, #tpu.memory_space<vmem_shared>> -> memref<80x128xf32, #tpu.memory_space<vmem_shared>>
        tpu.enqueue_dma source(%arg12 : memref<80x128xf32, #tpu.memory_space<vmem>>) target(%dma_start3A_287 : memref<80x128xf32, #tpu.memory_space<vmem_shared>>) target_semaphore(%run_scoped3A : memref<!tpu.dma_semaphore, #tpu.memory_space<semaphore_mem>>)
        %dma_wait3A_288 = arith.constant 0 : i32
        %dma_wait3A_289 = tpu.memref_slice %arg6[%mul3A_283, %dma_wait3A_288] : memref<10000x128xf32, #tpu.memory_space<vmem_shared>> -> memref<80x128xf32, #tpu.memory_space<vmem_shared>>
        %dma_wait3A_290 = arith.constant 0 : i32
        %dma_wait3A_291 = tpu.memref_slice %arg6[%mul3A_283, %dma_wait3A_290] : memref<10000x128xf32, #tpu.memory_space<vmem_shared>> -> memref<80x128xf32, #tpu.memory_space<vmem_shared>>
        tpu.wait_dma2 semaphore(%run_scoped3A : memref<!tpu.dma_semaphore, #tpu.memory_space<semaphore_mem>>) src(%arg12 : memref<80x128xf32, #tpu.memory_space<vmem>>) dst(%dma_wait3A_291 : memref<80x128xf32, #tpu.memory_space<vmem_shared>>)
        tpu.yield
      }) : () -> ()
    } else {
    }
    %add3A_47 = arith.constant 96 : i32
    %add3A_48 = arith.addi %add3A_47, %arg1 : i32
    %lt3A_49 = arith.constant 125 : i32
    %lt3A_50 = arith.cmpi slt, %add3A_48, %lt3A_49 : i32
    %convert_element_type3A_51 = arith.extui %lt3A_50 : i1 to i32
    %cond3A_52 = arith.constant 0 : i32
    %cond3A_53 = arith.cmpi ne, %convert_element_type3A_51, %cond3A_52 : i32
    scf.if %cond3A_53 {
      %mul3A_282 = arith.constant 80 : i32
      %mul3A_283 = arith.muli %add3A_48, %mul3A_282 : i32
      "tpu.region"() ({
        %run_scoped3A = tpu.sem_alloc : memref<!tpu.dma_semaphore, #tpu.memory_space<semaphore_mem>>
        %dma_start3A_284 = arith.constant 0 : i32
        %dma_start3A_285 = tpu.memref_slice %arg6[%mul3A_283, %dma_start3A_284] : memref<10000x128xf32, #tpu.memory_space<vmem_shared>> -> memref<80x128xf32, #tpu.memory_space<vmem_shared>>
        %dma_start3A_286 = arith.constant 0 : i32
        %dma_start3A_287 = tpu.memref_slice %arg6[%mul3A_283, %dma_start3A_286] : memref<10000x128xf32, #tpu.memory_space<vmem_shared>> -> memref<80x128xf32, #tpu.memory_space<vmem_shared>>
        tpu.enqueue_dma source(%arg12 : memref<80x128xf32, #tpu.memory_space<vmem>>) target(%dma_start3A_287 : memref<80x128xf32, #tpu.memory_space<vmem_shared>>) target_semaphore(%run_scoped3A : memref<!tpu.dma_semaphore, #tpu.memory_space<semaphore_mem>>)
        %dma_wait3A_288 = arith.constant 0 : i32
        %dma_wait3A_289 = tpu.memref_slice %arg6[%mul3A_283, %dma_wait3A_288] : memref<10000x128xf32, #tpu.memory_space<vmem_shared>> -> memref<80x128xf32, #tpu.memory_space<vmem_shared>>
        %dma_wait3A_290 = arith.constant 0 : i32
        %dma_wait3A_291 = tpu.memref_slice %arg6[%mul3A_283, %dma_wait3A_290] : memref<10000x128xf32, #tpu.memory_space<vmem_shared>> -> memref<80x128xf32, #tpu.memory_space<vmem_shared>>
        tpu.wait_dma2 semaphore(%run_scoped3A : memref<!tpu.dma_semaphore, #tpu.memory_space<semaphore_mem>>) src(%arg12 : memref<80x128xf32, #tpu.memory_space<vmem>>) dst(%dma_wait3A_291 : memref<80x128xf32, #tpu.memory_space<vmem_shared>>)
        tpu.yield
      }) : () -> ()
    } else {
    }
    %add3A_54 = arith.constant 112 : i32
    %add3A_55 = arith.addi %add3A_54, %arg1 : i32
    %lt3A_56 = arith.constant 125 : i32
    %lt3A_57 = arith.cmpi slt, %add3A_55, %lt3A_56 : i32
    %convert_element_type3A_58 = arith.extui %lt3A_57 : i1 to i32
    %cond3A_59 = arith.constant 0 : i32
    %cond3A_60 = arith.cmpi ne, %convert_element_type3A_58, %cond3A_59 : i32
    scf.if %cond3A_60 {
      %mul3A_282 = arith.constant 80 : i32
      %mul3A_283 = arith.muli %add3A_55, %mul3A_282 : i32
      "tpu.region"() ({
        %run_scoped3A = tpu.sem_alloc : memref<!tpu.dma_semaphore, #tpu.memory_space<semaphore_mem>>
        %dma_start3A_284 = arith.constant 0 : i32
        %dma_start3A_285 = tpu.memref_slice %arg6[%mul3A_283, %dma_start3A_284] : memref<10000x128xf32, #tpu.memory_space<vmem_shared>> -> memref<80x128xf32, #tpu.memory_space<vmem_shared>>
        %dma_start3A_286 = arith.constant 0 : i32
        %dma_start3A_287 = tpu.memref_slice %arg6[%mul3A_283, %dma_start3A_286] : memref<10000x128xf32, #tpu.memory_space<vmem_shared>> -> memref<80x128xf32, #tpu.memory_space<vmem_shared>>
        tpu.enqueue_dma source(%arg12 : memref<80x128xf32, #tpu.memory_space<vmem>>) target(%dma_start3A_287 : memref<80x128xf32, #tpu.memory_space<vmem_shared>>) target_semaphore(%run_scoped3A : memref<!tpu.dma_semaphore, #tpu.memory_space<semaphore_mem>>)
        %dma_wait3A_288 = arith.constant 0 : i32
        %dma_wait3A_289 = tpu.memref_slice %arg6[%mul3A_283, %dma_wait3A_288] : memref<10000x128xf32, #tpu.memory_space<vmem_shared>> -> memref<80x128xf32, #tpu.memory_space<vmem_shared>>
        %dma_wait3A_290 = arith.constant 0 : i32
        %dma_wait3A_291 = tpu.memref_slice %arg6[%mul3A_283, %dma_wait3A_290] : memref<10000x128xf32, #tpu.memory_space<vmem_shared>> -> memref<80x128xf32, #tpu.memory_space<vmem_shared>>
        tpu.wait_dma2 semaphore(%run_scoped3A : memref<!tpu.dma_semaphore, #tpu.memory_space<semaphore_mem>>) src(%arg12 : memref<80x128xf32, #tpu.memory_space<vmem>>) dst(%dma_wait3A_291 : memref<80x128xf32, #tpu.memory_space<vmem_shared>>)
        tpu.yield
      }) : () -> ()
    } else {
    }
    %mul3A_61 = arith.constant 80 : i32
    %mul3A_62 = arith.muli %arg1, %mul3A_61 : i32
    "tpu.region"() ({
      %run_scoped3A = tpu.sem_alloc : memref<!tpu.dma_semaphore, #tpu.memory_space<semaphore_mem>>
      %dma_start3A_282 = arith.constant 0 : i32
      %dma_start3A_283 = tpu.memref_slice %arg7[%mul3A_62, %dma_start3A_282] : memref<1280x128xf32, #tpu.memory_space<vmem_shared>> -> memref<80x128xf32, #tpu.memory_space<vmem_shared>>
      %dma_start3A_284 = arith.constant 0 : i32
      %dma_start3A_285 = tpu.memref_slice %arg7[%mul3A_62, %dma_start3A_284] : memref<1280x128xf32, #tpu.memory_space<vmem_shared>> -> memref<80x128xf32, #tpu.memory_space<vmem_shared>>
      tpu.enqueue_dma source(%arg14 : memref<80x128xf32, #tpu.memory_space<vmem>>) target(%dma_start3A_285 : memref<80x128xf32, #tpu.memory_space<vmem_shared>>) target_semaphore(%run_scoped3A : memref<!tpu.dma_semaphore, #tpu.memory_space<semaphore_mem>>)
      %dma_wait3A_286 = arith.constant 0 : i32
      %dma_wait3A_287 = tpu.memref_slice %arg7[%mul3A_62, %dma_wait3A_286] : memref<1280x128xf32, #tpu.memory_space<vmem_shared>> -> memref<80x128xf32, #tpu.memory_space<vmem_shared>>
      %dma_wait3A_288 = arith.constant 0 : i32
      %dma_wait3A_289 = tpu.memref_slice %arg7[%mul3A_62, %dma_wait3A_288] : memref<1280x128xf32, #tpu.memory_space<vmem_shared>> -> memref<80x128xf32, #tpu.memory_space<vmem_shared>>
      tpu.wait_dma2 semaphore(%run_scoped3A : memref<!tpu.dma_semaphore, #tpu.memory_space<semaphore_mem>>) src(%arg14 : memref<80x128xf32, #tpu.memory_space<vmem>>) dst(%dma_wait3A_289 : memref<80x128xf32, #tpu.memory_space<vmem_shared>>)
      tpu.yield
    }) : () -> ()
    %barrier3A = arith.constant 0 : index
    tpu.barrier barrier_id(%barrier3A)
    %iota3A = tpu.iota {dimensions = array<i32: 0>} : vector<16xi32>
    %broadcast_in_dim3A_63 = arith.constant 1.000000e+00 : f32
    %broadcast_in_dim3A_64 = vector.broadcast %broadcast_in_dim3A_63 : f32 to vector<16xf32>
    %add3A_65 = arith.constant 0 : i32
    %add3A_66 = arith.addi %mul3A_2, %add3A_65 : i32
    %dma_start3A = tpu.memref_slice %arg2[%add3A_66] : memref<640000xi32, #tpu.memory_space<hbm>> -> memref<80xi32, #tpu.memory_space<hbm>>
    %dma_start3A_67 = tpu.memref_slice %arg2[%add3A_66] : memref<640000xi32, #tpu.memory_space<hbm>> -> memref<80xi32, #tpu.memory_space<hbm>>
    tpu.enqueue_dma source(%dma_start3A_67 : memref<80xi32, #tpu.memory_space<hbm>>) target(%arg8 : memref<80xi32, #tpu.memory_space<vmem>>) target_semaphore(%arg15 : memref<!tpu.dma_semaphore, #tpu.memory_space<semaphore_mem>>)
    %dma_start3A_68 = arith.constant 0 : i32
    %dma_start3A_69 = tpu.memref_slice %arg3[%add3A_66, %dma_start3A_68] : memref<320000x128xf32, #tpu.memory_space<hbm>> -> memref<80x128xf32, #tpu.memory_space<hbm>>
    %dma_start3A_70 = arith.constant 0 : i32
    %dma_start3A_71 = tpu.memref_slice %arg3[%add3A_66, %dma_start3A_70] : memref<320000x128xf32, #tpu.memory_space<hbm>> -> memref<80x128xf32, #tpu.memory_space<hbm>>
    tpu.enqueue_dma source(%dma_start3A_71 : memref<80x128xf32, #tpu.memory_space<hbm>>) target(%arg12 : memref<80x128xf32, #tpu.memory_space<vmem>>) target_semaphore(%arg15 : memref<!tpu.dma_semaphore, #tpu.memory_space<semaphore_mem>>)
    %scan3A_72 = arith.constant 0 : i32
    %scan3A_73 = arith.constant 62 : i32
    %scan3A_74 = arith.addi %scan3A_72, %scan3A_73 : i32
    %scan3A_75 = arith.constant 1 : i32
    scf.for %scan3A_282 = %scan3A_72 to %scan3A_74 step %scan3A_75  : i32 {
      %mul3A_283 = arith.constant 2 : i32
      %mul3A_284 = arith.muli %scan3A_282, %mul3A_283 : i32
      %add3A_285 = arith.constant 0 : i32
      %add3A_286 = arith.addi %add3A_285, %mul3A_284 : i32
      %add3A_287 = arith.constant 1 : i32
      %add3A_288 = arith.addi %add3A_286, %add3A_287 : i32
      %mul3A_289 = arith.constant 80 : i32
      %mul3A_290 = arith.muli %add3A_288, %mul3A_289 : i32
      %add3A_291 = arith.addi %mul3A_2, %mul3A_290 : i32
      %dma_start3A_292 = tpu.memref_slice %arg2[%add3A_291] : memref<640000xi32, #tpu.memory_space<hbm>> -> memref<80xi32, #tpu.memory_space<hbm>>
      %dma_start3A_293 = tpu.memref_slice %arg2[%add3A_291] : memref<640000xi32, #tpu.memory_space<hbm>> -> memref<80xi32, #tpu.memory_space<hbm>>
      tpu.enqueue_dma source(%dma_start3A_293 : memref<80xi32, #tpu.memory_space<hbm>>) target(%arg9 : memref<80xi32, #tpu.memory_space<vmem>>) target_semaphore(%arg16 : memref<!tpu.dma_semaphore, #tpu.memory_space<semaphore_mem>>)
      %dma_start3A_294 = arith.constant 0 : i32
      %dma_start3A_295 = tpu.memref_slice %arg3[%add3A_291, %dma_start3A_294] : memref<320000x128xf32, #tpu.memory_space<hbm>> -> memref<80x128xf32, #tpu.memory_space<hbm>>
      %dma_start3A_296 = arith.constant 0 : i32
      %dma_start3A_297 = tpu.memref_slice %arg3[%add3A_291, %dma_start3A_296] : memref<320000x128xf32, #tpu.memory_space<hbm>> -> memref<80x128xf32, #tpu.memory_space<hbm>>
      tpu.enqueue_dma source(%dma_start3A_297 : memref<80x128xf32, #tpu.memory_space<hbm>>) target(%arg13 : memref<80x128xf32, #tpu.memory_space<vmem>>) target_semaphore(%arg16 : memref<!tpu.dma_semaphore, #tpu.memory_space<semaphore_mem>>)
      %mul3A_298 = arith.constant 80 : i32
      %mul3A_299 = arith.muli %add3A_286, %mul3A_298 : i32
      %add3A_300 = arith.addi %mul3A_2, %mul3A_299 : i32
      %dma_wait3A_301 = tpu.memref_slice %arg2[%add3A_300] : memref<640000xi32, #tpu.memory_space<hbm>> -> memref<80xi32, #tpu.memory_space<hbm>>
      %dma_wait3A_302 = tpu.memref_slice %arg2[%add3A_300] : memref<640000xi32, #tpu.memory_space<hbm>> -> memref<80xi32, #tpu.memory_space<hbm>>
      tpu.wait_dma2 semaphore(%arg15 : memref<!tpu.dma_semaphore, #tpu.memory_space<semaphore_mem>>) src(%dma_wait3A_302 : memref<80xi32, #tpu.memory_space<hbm>>) dst(%arg8 : memref<80xi32, #tpu.memory_space<vmem>>)
      %dma_wait3A_303 = arith.constant 0 : i32
      %dma_wait3A_304 = tpu.memref_slice %arg3[%add3A_300, %dma_wait3A_303] : memref<320000x128xf32, #tpu.memory_space<hbm>> -> memref<80x128xf32, #tpu.memory_space<hbm>>
      %dma_wait3A_305 = arith.constant 0 : i32
      %dma_wait3A_306 = tpu.memref_slice %arg3[%add3A_300, %dma_wait3A_305] : memref<320000x128xf32, #tpu.memory_space<hbm>> -> memref<80x128xf32, #tpu.memory_space<hbm>>
      tpu.wait_dma2 semaphore(%arg15 : memref<!tpu.dma_semaphore, #tpu.memory_space<semaphore_mem>>) src(%dma_wait3A_306 : memref<80x128xf32, #tpu.memory_space<hbm>>) dst(%arg12 : memref<80x128xf32, #tpu.memory_space<vmem>>)
      %get3A_307 = arith.constant 0 : index
      %get3A_308 = tpu.vector_load %arg8[%get3A_307] {strides = array<i32>} : memref<80xi32, #tpu.memory_space<vmem>>, vector<16xi32>,
      %shift_right_logical3A_309 = arith.constant 3 : i32
      %shift_right_logical3A_310 = vector.broadcast %shift_right_logical3A_309 : i32 to vector<16xi32>
      %shift_right_logical3A_311 = arith.shrui %get3A_308, %shift_right_logical3A_310 : vector<16xi32>
      %swap3A_312 = arith.constant 0 : index
      %swap3A_313 = tpu.vector_load %arg10[%swap3A_312] {strides = array<i32>} : memref<80xi32, #tpu.memory_space<vmem>>, vector<16xi32>,
      tpu.vector_store %arg10[%swap3A_312], %shift_right_logical3A_311 {strides = array<i32>} : memref<80xi32, #tpu.memory_space<vmem>>, vector<16xi32>,
      %and3A_314 = arith.constant 7 : i32
      %and3A_315 = vector.broadcast %and3A_314 : i32 to vector<16xi32>
      %and3A_316 = arith.andi %get3A_308, %and3A_315 : vector<16xi32>
      %mul3A_317 = arith.constant 16 : i32
      %mul3A_318 = vector.broadcast %mul3A_317 : i32 to vector<16xi32>
      %mul3A_319 = arith.muli %and3A_316, %mul3A_318 : vector<16xi32>
      %add3A_320 = arith.constant 0 : i32
      %add3A_321 = vector.broadcast %add3A_320 : i32 to vector<16xi32>
      %add3A_322 = arith.addi %iota3A, %add3A_321 : vector<16xi32>
      tpu.vector_store_idx %arg14[%add3A_322, %mul3A_319], %broadcast_in_dim3A_64 : memref<80x128xf32, #tpu.memory_space<vmem>>[vector<16xi32>, vector<16xi32>], vector<16xf32>,
      %get3A_323 = arith.constant 16 : index
      %get3A_324 = tpu.vector_load %arg8[%get3A_323] {strides = array<i32>} : memref<80xi32, #tpu.memory_space<vmem>>, vector<16xi32>,
      %shift_right_logical3A_325 = arith.constant 3 : i32
      %shift_right_logical3A_326 = vector.broadcast %shift_right_logical3A_325 : i32 to vector<16xi32>
      %shift_right_logical3A_327 = arith.shrui %get3A_324, %shift_right_logical3A_326 : vector<16xi32>
      %swap3A_328 = arith.constant 16 : index
      %swap3A_329 = tpu.vector_load %arg10[%swap3A_328] {strides = array<i32>} : memref<80xi32, #tpu.memory_space<vmem>>, vector<16xi32>,
      tpu.vector_store %arg10[%swap3A_328], %shift_right_logical3A_327 {strides = array<i32>} : memref<80xi32, #tpu.memory_space<vmem>>, vector<16xi32>,
      %and3A_330 = arith.constant 7 : i32
      %and3A_331 = vector.broadcast %and3A_330 : i32 to vector<16xi32>
      %and3A_332 = arith.andi %get3A_324, %and3A_331 : vector<16xi32>
      %mul3A_333 = arith.constant 16 : i32
      %mul3A_334 = vector.broadcast %mul3A_333 : i32 to vector<16xi32>
      %mul3A_335 = arith.muli %and3A_332, %mul3A_334 : vector<16xi32>
      %add3A_336 = arith.constant 16 : i32
      %add3A_337 = vector.broadcast %add3A_336 : i32 to vector<16xi32>
      %add3A_338 = arith.addi %iota3A, %add3A_337 : vector<16xi32>
      tpu.vector_store_idx %arg14[%add3A_338, %mul3A_335], %broadcast_in_dim3A_64 : memref<80x128xf32, #tpu.memory_space<vmem>>[vector<16xi32>, vector<16xi32>], vector<16xf32>,
      %get3A_339 = arith.constant 32 : index
      %get3A_340 = tpu.vector_load %arg8[%get3A_339] {strides = array<i32>} : memref<80xi32, #tpu.memory_space<vmem>>, vector<16xi32>,
      %shift_right_logical3A_341 = arith.constant 3 : i32
      %shift_right_logical3A_342 = vector.broadcast %shift_right_logical3A_341 : i32 to vector<16xi32>
      %shift_right_logical3A_343 = arith.shrui %get3A_340, %shift_right_logical3A_342 : vector<16xi32>
      %swap3A_344 = arith.constant 32 : index
      %swap3A_345 = tpu.vector_load %arg10[%swap3A_344] {strides = array<i32>} : memref<80xi32, #tpu.memory_space<vmem>>, vector<16xi32>,
      tpu.vector_store %arg10[%swap3A_344], %shift_right_logical3A_343 {strides = array<i32>} : memref<80xi32, #tpu.memory_space<vmem>>, vector<16xi32>,
      %and3A_346 = arith.constant 7 : i32
      %and3A_347 = vector.broadcast %and3A_346 : i32 to vector<16xi32>
      %and3A_348 = arith.andi %get3A_340, %and3A_347 : vector<16xi32>
      %mul3A_349 = arith.constant 16 : i32
      %mul3A_350 = vector.broadcast %mul3A_349 : i32 to vector<16xi32>
      %mul3A_351 = arith.muli %and3A_348, %mul3A_350 : vector<16xi32>
      %add3A_352 = arith.constant 32 : i32
      %add3A_353 = vector.broadcast %add3A_352 : i32 to vector<16xi32>
      %add3A_354 = arith.addi %iota3A, %add3A_353 : vector<16xi32>
      tpu.vector_store_idx %arg14[%add3A_354, %mul3A_351], %broadcast_in_dim3A_64 : memref<80x128xf32, #tpu.memory_space<vmem>>[vector<16xi32>, vector<16xi32>], vector<16xf32>,
      %get3A_355 = arith.constant 48 : index
      %get3A_356 = tpu.vector_load %arg8[%get3A_355] {strides = array<i32>} : memref<80xi32, #tpu.memory_space<vmem>>, vector<16xi32>,
      %shift_right_logical3A_357 = arith.constant 3 : i32
      %shift_right_logical3A_358 = vector.broadcast %shift_right_logical3A_357 : i32 to vector<16xi32>
      %shift_right_logical3A_359 = arith.shrui %get3A_356, %shift_right_logical3A_358 : vector<16xi32>
      %swap3A_360 = arith.constant 48 : index
      %swap3A_361 = tpu.vector_load %arg10[%swap3A_360] {strides = array<i32>} : memref<80xi32, #tpu.memory_space<vmem>>, vector<16xi32>,
      tpu.vector_store %arg10[%swap3A_360], %shift_right_logical3A_359 {strides = array<i32>} : memref<80xi32, #tpu.memory_space<vmem>>, vector<16xi32>,
      %and3A_362 = arith.constant 7 : i32
      %and3A_363 = vector.broadcast %and3A_362 : i32 to vector<16xi32>
      %and3A_364 = arith.andi %get3A_356, %and3A_363 : vector<16xi32>
      %mul3A_365 = arith.constant 16 : i32
      %mul3A_366 = vector.broadcast %mul3A_365 : i32 to vector<16xi32>
      %mul3A_367 = arith.muli %and3A_364, %mul3A_366 : vector<16xi32>
      %add3A_368 = arith.constant 48 : i32
      %add3A_369 = vector.broadcast %add3A_368 : i32 to vector<16xi32>
      %add3A_370 = arith.addi %iota3A, %add3A_369 : vector<16xi32>
      tpu.vector_store_idx %arg14[%add3A_370, %mul3A_367], %broadcast_in_dim3A_64 : memref<80x128xf32, #tpu.memory_space<vmem>>[vector<16xi32>, vector<16xi32>], vector<16xf32>,
      %get3A_371 = arith.constant 64 : index
      %get3A_372 = tpu.vector_load %arg8[%get3A_371] {strides = array<i32>} : memref<80xi32, #tpu.memory_space<vmem>>, vector<16xi32>,
      %shift_right_logical3A_373 = arith.constant 3 : i32
      %shift_right_logical3A_374 = vector.broadcast %shift_right_logical3A_373 : i32 to vector<16xi32>
      %shift_right_logical3A_375 = arith.shrui %get3A_372, %shift_right_logical3A_374 : vector<16xi32>
      %swap3A_376 = arith.constant 64 : index
      %swap3A_377 = tpu.vector_load %arg10[%swap3A_376] {strides = array<i32>} : memref<80xi32, #tpu.memory_space<vmem>>, vector<16xi32>,
      tpu.vector_store %arg10[%swap3A_376], %shift_right_logical3A_375 {strides = array<i32>} : memref<80xi32, #tpu.memory_space<vmem>>, vector<16xi32>,
      %and3A_378 = arith.constant 7 : i32
      %and3A_379 = vector.broadcast %and3A_378 : i32 to vector<16xi32>
      %and3A_380 = arith.andi %get3A_372, %and3A_379 : vector<16xi32>
      %mul3A_381 = arith.constant 16 : i32
      %mul3A_382 = vector.broadcast %mul3A_381 : i32 to vector<16xi32>
      %mul3A_383 = arith.muli %and3A_380, %mul3A_382 : vector<16xi32>
      %add3A_384 = arith.constant 64 : i32
      %add3A_385 = vector.broadcast %add3A_384 : i32 to vector<16xi32>
      %add3A_386 = arith.addi %iota3A, %add3A_385 : vector<16xi32>
      tpu.vector_store_idx %arg14[%add3A_386, %mul3A_383], %broadcast_in_dim3A_64 : memref<80x128xf32, #tpu.memory_space<vmem>>[vector<16xi32>, vector<16xi32>], vector<16xf32>,
      %dma_start3A_387 = arith.constant 0 : i32
      %dma_start3A_388 = arith.constant 0 : i32
      %dma_start3A_389 = tpu.memref_slice %arg6[%dma_start3A_387, %dma_start3A_388] : memref<10000x128xf32, #tpu.memory_space<vmem_shared>> -> memref<10000x128xf32, #tpu.memory_space<vmem_shared>>
      tpu.enqueue_indirect_dma source(%arg12 : memref<80x128xf32, #tpu.memory_space<vmem>>) target(%dma_start3A_389 : memref<10000x128xf32, #tpu.memory_space<vmem_shared>>) offsets(%arg8 : memref<80xi32, #tpu.memory_space<vmem>>) semaphore(%arg17 : memref<!tpu.dma_semaphore, #tpu.memory_space<semaphore_mem>>) {add = true}
      "tpu.region"() ({
        %run_scoped3A = tpu.sem_alloc : memref<!tpu.dma_semaphore, #tpu.memory_space<semaphore_mem>>
        %dma_start3A_611 = arith.constant 0 : i32
        %dma_start3A_612 = arith.constant 0 : i32
        %dma_start3A_613 = tpu.memref_slice %arg7[%dma_start3A_611, %dma_start3A_612] : memref<1280x128xf32, #tpu.memory_space<vmem_shared>> -> memref<1280x128xf32, #tpu.memory_space<vmem_shared>>
        tpu.enqueue_indirect_dma source(%arg14 : memref<80x128xf32, #tpu.memory_space<vmem>>) target(%dma_start3A_613 : memref<1280x128xf32, #tpu.memory_space<vmem_shared>>) offsets(%arg10 : memref<80xi32, #tpu.memory_space<vmem>>) semaphore(%run_scoped3A : memref<!tpu.dma_semaphore, #tpu.memory_space<semaphore_mem>>) {add = true}
        %dma_wait3A_614 = arith.constant 0 : i32
        %dma_wait3A_615 = arith.constant 0 : i32
        %dma_wait3A_616 = tpu.memref_slice %arg7[%dma_wait3A_614, %dma_wait3A_615] : memref<1280x128xf32, #tpu.memory_space<vmem_shared>> -> memref<1280x128xf32, #tpu.memory_space<vmem_shared>>
        tpu.wait_indirect_dma semaphore(%run_scoped3A : memref<!tpu.dma_semaphore, #tpu.memory_space<semaphore_mem>>) src(%arg14 : memref<80x128xf32, #tpu.memory_space<vmem>>) dst(%dma_wait3A_616 : memref<1280x128xf32, #tpu.memory_space<vmem_shared>>)
        tpu.yield
      }) : () -> ()
      %dma_wait3A_390 = arith.constant 0 : i32
      %dma_wait3A_391 = arith.constant 0 : i32
      %dma_wait3A_392 = tpu.memref_slice %arg6[%dma_wait3A_390, %dma_wait3A_391] : memref<10000x128xf32, #tpu.memory_space<vmem_shared>> -> memref<10000x128xf32, #tpu.memory_space<vmem_shared>>
      tpu.wait_indirect_dma semaphore(%arg17 : memref<!tpu.dma_semaphore, #tpu.memory_space<semaphore_mem>>) src(%arg12 : memref<80x128xf32, #tpu.memory_space<vmem>>) dst(%dma_wait3A_392 : memref<10000x128xf32, #tpu.memory_space<vmem_shared>>)
      %get3A_393 = arith.constant 0 : index
      %get3A_394 = tpu.vector_load %arg8[%get3A_393] {strides = array<i32>} : memref<80xi32, #tpu.memory_space<vmem>>, vector<16xi32>,
      %and3A_395 = arith.constant 7 : i32
      %and3A_396 = vector.broadcast %and3A_395 : i32 to vector<16xi32>
      %and3A_397 = arith.andi %get3A_394, %and3A_396 : vector<16xi32>
      %mul3A_398 = arith.constant 16 : i32
      %mul3A_399 = vector.broadcast %mul3A_398 : i32 to vector<16xi32>
      %mul3A_400 = arith.muli %and3A_397, %mul3A_399 : vector<16xi32>
      %add3A_401 = arith.constant 0 : i32
      %add3A_402 = vector.broadcast %add3A_401 : i32 to vector<16xi32>
      %add3A_403 = arith.addi %iota3A, %add3A_402 : vector<16xi32>
      tpu.vector_store_idx %arg14[%add3A_403, %mul3A_400], %broadcast_in_dim3A_3 : memref<80x128xf32, #tpu.memory_space<vmem>>[vector<16xi32>, vector<16xi32>], vector<16xf32>,
      %get3A_404 = arith.constant 16 : index
      %get3A_405 = tpu.vector_load %arg8[%get3A_404] {strides = array<i32>} : memref<80xi32, #tpu.memory_space<vmem>>, vector<16xi32>,
      %and3A_406 = arith.constant 7 : i32
      %and3A_407 = vector.broadcast %and3A_406 : i32 to vector<16xi32>
      %and3A_408 = arith.andi %get3A_405, %and3A_407 : vector<16xi32>
      %mul3A_409 = arith.constant 16 : i32
      %mul3A_410 = vector.broadcast %mul3A_409 : i32 to vector<16xi32>
      %mul3A_411 = arith.muli %and3A_408, %mul3A_410 : vector<16xi32>
      %add3A_412 = arith.constant 16 : i32
      %add3A_413 = vector.broadcast %add3A_412 : i32 to vector<16xi32>
      %add3A_414 = arith.addi %iota3A, %add3A_413 : vector<16xi32>
      tpu.vector_store_idx %arg14[%add3A_414, %mul3A_411], %broadcast_in_dim3A_3 : memref<80x128xf32, #tpu.memory_space<vmem>>[vector<16xi32>, vector<16xi32>], vector<16xf32>,
      %get3A_415 = arith.constant 32 : index
      %get3A_416 = tpu.vector_load %arg8[%get3A_415] {strides = array<i32>} : memref<80xi32, #tpu.memory_space<vmem>>, vector<16xi32>,
      %and3A_417 = arith.constant 7 : i32
      %and3A_418 = vector.broadcast %and3A_417 : i32 to vector<16xi32>
      %and3A_419 = arith.andi %get3A_416, %and3A_418 : vector<16xi32>
      %mul3A_420 = arith.constant 16 : i32
      %mul3A_421 = vector.broadcast %mul3A_420 : i32 to vector<16xi32>
      %mul3A_422 = arith.muli %and3A_419, %mul3A_421 : vector<16xi32>
      %add3A_423 = arith.constant 32 : i32
      %add3A_424 = vector.broadcast %add3A_423 : i32 to vector<16xi32>
      %add3A_425 = arith.addi %iota3A, %add3A_424 : vector<16xi32>
      tpu.vector_store_idx %arg14[%add3A_425, %mul3A_422], %broadcast_in_dim3A_3 : memref<80x128xf32, #tpu.memory_space<vmem>>[vector<16xi32>, vector<16xi32>], vector<16xf32>,
      %get3A_426 = arith.constant 48 : index
      %get3A_427 = tpu.vector_load %arg8[%get3A_426] {strides = array<i32>} : memref<80xi32, #tpu.memory_space<vmem>>, vector<16xi32>,
      %and3A_428 = arith.constant 7 : i32
      %and3A_429 = vector.broadcast %and3A_428 : i32 to vector<16xi32>
      %and3A_430 = arith.andi %get3A_427, %and3A_429 : vector<16xi32>
      %mul3A_431 = arith.constant 16 : i32
      %mul3A_432 = vector.broadcast %mul3A_431 : i32 to vector<16xi32>
      %mul3A_433 = arith.muli %and3A_430, %mul3A_432 : vector<16xi32>
      %add3A_434 = arith.constant 48 : i32
      %add3A_435 = vector.broadcast %add3A_434 : i32 to vector<16xi32>
      %add3A_436 = arith.addi %iota3A, %add3A_435 : vector<16xi32>
      tpu.vector_store_idx %arg14[%add3A_436, %mul3A_433], %broadcast_in_dim3A_3 : memref<80x128xf32, #tpu.memory_space<vmem>>[vector<16xi32>, vector<16xi32>], vector<16xf32>,
      %get3A_437 = arith.constant 64 : index
      %get3A_438 = tpu.vector_load %arg8[%get3A_437] {strides = array<i32>} : memref<80xi32, #tpu.memory_space<vmem>>, vector<16xi32>,
      %and3A_439 = arith.constant 7 : i32
      %and3A_440 = vector.broadcast %and3A_439 : i32 to vector<16xi32>
      %and3A_441 = arith.andi %get3A_438, %and3A_440 : vector<16xi32>
      %mul3A_442 = arith.constant 16 : i32
      %mul3A_443 = vector.broadcast %mul3A_442 : i32 to vector<16xi32>
      %mul3A_444 = arith.muli %and3A_441, %mul3A_443 : vector<16xi32>
      %add3A_445 = arith.constant 64 : i32
      %add3A_446 = vector.broadcast %add3A_445 : i32 to vector<16xi32>
      %add3A_447 = arith.addi %iota3A, %add3A_446 : vector<16xi32>
      tpu.vector_store_idx %arg14[%add3A_447, %mul3A_444], %broadcast_in_dim3A_3 : memref<80x128xf32, #tpu.memory_space<vmem>>[vector<16xi32>, vector<16xi32>], vector<16xf32>,
      %add3A_448 = arith.constant 2 : i32
      %add3A_449 = arith.addi %add3A_286, %add3A_448 : i32
      %mul3A_450 = arith.constant 80 : i32
      %mul3A_451 = arith.muli %add3A_449, %mul3A_450 : i32
      %add3A_452 = arith.addi %mul3A_2, %mul3A_451 : i32
      %dma_start3A_453 = tpu.memref_slice %arg2[%add3A_452] : memref<640000xi32, #tpu.memory_space<hbm>> -> memref<80xi32, #tpu.memory_space<hbm>>
      %dma_start3A_454 = tpu.memref_slice %arg2[%add3A_452] : memref<640000xi32, #tpu.memory_space<hbm>> -> memref<80xi32, #tpu.memory_space<hbm>>
      tpu.enqueue_dma source(%dma_start3A_454 : memref<80xi32, #tpu.memory_space<hbm>>) target(%arg8 : memref<80xi32, #tpu.memory_space<vmem>>) target_semaphore(%arg15 : memref<!tpu.dma_semaphore, #tpu.memory_space<semaphore_mem>>)
      %dma_start3A_455 = arith.constant 0 : i32
      %dma_start3A_456 = tpu.memref_slice %arg3[%add3A_452, %dma_start3A_455] : memref<320000x128xf32, #tpu.memory_space<hbm>> -> memref<80x128xf32, #tpu.memory_space<hbm>>
      %dma_start3A_457 = arith.constant 0 : i32
      %dma_start3A_458 = tpu.memref_slice %arg3[%add3A_452, %dma_start3A_457] : memref<320000x128xf32, #tpu.memory_space<hbm>> -> memref<80x128xf32, #tpu.memory_space<hbm>>
      tpu.enqueue_dma source(%dma_start3A_458 : memref<80x128xf32, #tpu.memory_space<hbm>>) target(%arg12 : memref<80x128xf32, #tpu.memory_space<vmem>>) target_semaphore(%arg15 : memref<!tpu.dma_semaphore, #tpu.memory_space<semaphore_mem>>)
      %add3A_459 = arith.constant 1 : i32
      %add3A_460 = arith.addi %add3A_286, %add3A_459 : i32
      %mul3A_461 = arith.constant 80 : i32
      %mul3A_462 = arith.muli %add3A_460, %mul3A_461 : i32
      %add3A_463 = arith.addi %mul3A_2, %mul3A_462 : i32
      %dma_wait3A_464 = tpu.memref_slice %arg2[%add3A_463] : memref<640000xi32, #tpu.memory_space<hbm>> -> memref<80xi32, #tpu.memory_space<hbm>>
      %dma_wait3A_465 = tpu.memref_slice %arg2[%add3A_463] : memref<640000xi32, #tpu.memory_space<hbm>> -> memref<80xi32, #tpu.memory_space<hbm>>
      tpu.wait_dma2 semaphore(%arg16 : memref<!tpu.dma_semaphore, #tpu.memory_space<semaphore_mem>>) src(%dma_wait3A_465 : memref<80xi32, #tpu.memory_space<hbm>>) dst(%arg9 : memref<80xi32, #tpu.memory_space<vmem>>)
      %dma_wait3A_466 = arith.constant 0 : i32
      %dma_wait3A_467 = tpu.memref_slice %arg3[%add3A_463, %dma_wait3A_466] : memref<320000x128xf32, #tpu.memory_space<hbm>> -> memref<80x128xf32, #tpu.memory_space<hbm>>
      %dma_wait3A_468 = arith.constant 0 : i32
      %dma_wait3A_469 = tpu.memref_slice %arg3[%add3A_463, %dma_wait3A_468] : memref<320000x128xf32, #tpu.memory_space<hbm>> -> memref<80x128xf32, #tpu.memory_space<hbm>>
      tpu.wait_dma2 semaphore(%arg16 : memref<!tpu.dma_semaphore, #tpu.memory_space<semaphore_mem>>) src(%dma_wait3A_469 : memref<80x128xf32, #tpu.memory_space<hbm>>) dst(%arg13 : memref<80x128xf32, #tpu.memory_space<vmem>>)
      %get3A_470 = arith.constant 0 : index
      %get3A_471 = tpu.vector_load %arg9[%get3A_470] {strides = array<i32>} : memref<80xi32, #tpu.memory_space<vmem>>, vector<16xi32>,
      %shift_right_logical3A_472 = arith.constant 3 : i32
      %shift_right_logical3A_473 = vector.broadcast %shift_right_logical3A_472 : i32 to vector<16xi32>
      %shift_right_logical3A_474 = arith.shrui %get3A_471, %shift_right_logical3A_473 : vector<16xi32>
      %swap3A_475 = arith.constant 0 : index
      %swap3A_476 = tpu.vector_load %arg11[%swap3A_475] {strides = array<i32>} : memref<80xi32, #tpu.memory_space<vmem>>, vector<16xi32>,
      tpu.vector_store %arg11[%swap3A_475], %shift_right_logical3A_474 {strides = array<i32>} : memref<80xi32, #tpu.memory_space<vmem>>, vector<16xi32>,
      %and3A_477 = arith.constant 7 : i32
      %and3A_478 = vector.broadcast %and3A_477 : i32 to vector<16xi32>
      %and3A_479 = arith.andi %get3A_471, %and3A_478 : vector<16xi32>
      %mul3A_480 = arith.constant 16 : i32
      %mul3A_481 = vector.broadcast %mul3A_480 : i32 to vector<16xi32>
      %mul3A_482 = arith.muli %and3A_479, %mul3A_481 : vector<16xi32>
      %add3A_483 = arith.constant 0 : i32
      %add3A_484 = vector.broadcast %add3A_483 : i32 to vector<16xi32>
      %add3A_485 = arith.addi %iota3A, %add3A_484 : vector<16xi32>
      tpu.vector_store_idx %arg14[%add3A_485, %mul3A_482], %broadcast_in_dim3A_64 : memref<80x128xf32, #tpu.memory_space<vmem>>[vector<16xi32>, vector<16xi32>], vector<16xf32>,
      %get3A_486 = arith.constant 16 : index
      %get3A_487 = tpu.vector_load %arg9[%get3A_486] {strides = array<i32>} : memref<80xi32, #tpu.memory_space<vmem>>, vector<16xi32>,
      %shift_right_logical3A_488 = arith.constant 3 : i32
      %shift_right_logical3A_489 = vector.broadcast %shift_right_logical3A_488 : i32 to vector<16xi32>
      %shift_right_logical3A_490 = arith.shrui %get3A_487, %shift_right_logical3A_489 : vector<16xi32>
      %swap3A_491 = arith.constant 16 : index
      %swap3A_492 = tpu.vector_load %arg11[%swap3A_491] {strides = array<i32>} : memref<80xi32, #tpu.memory_space<vmem>>, vector<16xi32>,
      tpu.vector_store %arg11[%swap3A_491], %shift_right_logical3A_490 {strides = array<i32>} : memref<80xi32, #tpu.memory_space<vmem>>, vector<16xi32>,
      %and3A_493 = arith.constant 7 : i32
      %and3A_494 = vector.broadcast %and3A_493 : i32 to vector<16xi32>
      %and3A_495 = arith.andi %get3A_487, %and3A_494 : vector<16xi32>
      %mul3A_496 = arith.constant 16 : i32
      %mul3A_497 = vector.broadcast %mul3A_496 : i32 to vector<16xi32>
      %mul3A_498 = arith.muli %and3A_495, %mul3A_497 : vector<16xi32>
      %add3A_499 = arith.constant 16 : i32
      %add3A_500 = vector.broadcast %add3A_499 : i32 to vector<16xi32>
      %add3A_501 = arith.addi %iota3A, %add3A_500 : vector<16xi32>
      tpu.vector_store_idx %arg14[%add3A_501, %mul3A_498], %broadcast_in_dim3A_64 : memref<80x128xf32, #tpu.memory_space<vmem>>[vector<16xi32>, vector<16xi32>], vector<16xf32>,
      %get3A_502 = arith.constant 32 : index
      %get3A_503 = tpu.vector_load %arg9[%get3A_502] {strides = array<i32>} : memref<80xi32, #tpu.memory_space<vmem>>, vector<16xi32>,
      %shift_right_logical3A_504 = arith.constant 3 : i32
      %shift_right_logical3A_505 = vector.broadcast %shift_right_logical3A_504 : i32 to vector<16xi32>
      %shift_right_logical3A_506 = arith.shrui %get3A_503, %shift_right_logical3A_505 : vector<16xi32>
      %swap3A_507 = arith.constant 32 : index
      %swap3A_508 = tpu.vector_load %arg11[%swap3A_507] {strides = array<i32>} : memref<80xi32, #tpu.memory_space<vmem>>, vector<16xi32>,
      tpu.vector_store %arg11[%swap3A_507], %shift_right_logical3A_506 {strides = array<i32>} : memref<80xi32, #tpu.memory_space<vmem>>, vector<16xi32>,
      %and3A_509 = arith.constant 7 : i32
      %and3A_510 = vector.broadcast %and3A_509 : i32 to vector<16xi32>
      %and3A_511 = arith.andi %get3A_503, %and3A_510 : vector<16xi32>
      %mul3A_512 = arith.constant 16 : i32
      %mul3A_513 = vector.broadcast %mul3A_512 : i32 to vector<16xi32>
      %mul3A_514 = arith.muli %and3A_511, %mul3A_513 : vector<16xi32>
      %add3A_515 = arith.constant 32 : i32
      %add3A_516 = vector.broadcast %add3A_515 : i32 to vector<16xi32>
      %add3A_517 = arith.addi %iota3A, %add3A_516 : vector<16xi32>
      tpu.vector_store_idx %arg14[%add3A_517, %mul3A_514], %broadcast_in_dim3A_64 : memref<80x128xf32, #tpu.memory_space<vmem>>[vector<16xi32>, vector<16xi32>], vector<16xf32>,
      %get3A_518 = arith.constant 48 : index
      %get3A_519 = tpu.vector_load %arg9[%get3A_518] {strides = array<i32>} : memref<80xi32, #tpu.memory_space<vmem>>, vector<16xi32>,
      %shift_right_logical3A_520 = arith.constant 3 : i32
      %shift_right_logical3A_521 = vector.broadcast %shift_right_logical3A_520 : i32 to vector<16xi32>
      %shift_right_logical3A_522 = arith.shrui %get3A_519, %shift_right_logical3A_521 : vector<16xi32>
      %swap3A_523 = arith.constant 48 : index
      %swap3A_524 = tpu.vector_load %arg11[%swap3A_523] {strides = array<i32>} : memref<80xi32, #tpu.memory_space<vmem>>, vector<16xi32>,
      tpu.vector_store %arg11[%swap3A_523], %shift_right_logical3A_522 {strides = array<i32>} : memref<80xi32, #tpu.memory_space<vmem>>, vector<16xi32>,
      %and3A_525 = arith.constant 7 : i32
      %and3A_526 = vector.broadcast %and3A_525 : i32 to vector<16xi32>
      %and3A_527 = arith.andi %get3A_519, %and3A_526 : vector<16xi32>
      %mul3A_528 = arith.constant 16 : i32
      %mul3A_529 = vector.broadcast %mul3A_528 : i32 to vector<16xi32>
      %mul3A_530 = arith.muli %and3A_527, %mul3A_529 : vector<16xi32>
      %add3A_531 = arith.constant 48 : i32
      %add3A_532 = vector.broadcast %add3A_531 : i32 to vector<16xi32>
      %add3A_533 = arith.addi %iota3A, %add3A_532 : vector<16xi32>
      tpu.vector_store_idx %arg14[%add3A_533, %mul3A_530], %broadcast_in_dim3A_64 : memref<80x128xf32, #tpu.memory_space<vmem>>[vector<16xi32>, vector<16xi32>], vector<16xf32>,
      %get3A_534 = arith.constant 64 : index
      %get3A_535 = tpu.vector_load %arg9[%get3A_534] {strides = array<i32>} : memref<80xi32, #tpu.memory_space<vmem>>, vector<16xi32>,
      %shift_right_logical3A_536 = arith.constant 3 : i32
      %shift_right_logical3A_537 = vector.broadcast %shift_right_logical3A_536 : i32 to vector<16xi32>
      %shift_right_logical3A_538 = arith.shrui %get3A_535, %shift_right_logical3A_537 : vector<16xi32>
      %swap3A_539 = arith.constant 64 : index
      %swap3A_540 = tpu.vector_load %arg11[%swap3A_539] {strides = array<i32>} : memref<80xi32, #tpu.memory_space<vmem>>, vector<16xi32>,
      tpu.vector_store %arg11[%swap3A_539], %shift_right_logical3A_538 {strides = array<i32>} : memref<80xi32, #tpu.memory_space<vmem>>, vector<16xi32>,
      %and3A_541 = arith.constant 7 : i32
      %and3A_542 = vector.broadcast %and3A_541 : i32 to vector<16xi32>
      %and3A_543 = arith.andi %get3A_535, %and3A_542 : vector<16xi32>
      %mul3A_544 = arith.constant 16 : i32
      %mul3A_545 = vector.broadcast %mul3A_544 : i32 to vector<16xi32>
      %mul3A_546 = arith.muli %and3A_543, %mul3A_545 : vector<16xi32>
      %add3A_547 = arith.constant 64 : i32
      %add3A_548 = vector.broadcast %add3A_547 : i32 to vector<16xi32>
      %add3A_549 = arith.addi %iota3A, %add3A_548 : vector<16xi32>
      tpu.vector_store_idx %arg14[%add3A_549, %mul3A_546], %broadcast_in_dim3A_64 : memref<80x128xf32, #tpu.memory_space<vmem>>[vector<16xi32>, vector<16xi32>], vector<16xf32>,
      %dma_start3A_550 = arith.constant 0 : i32
      %dma_start3A_551 = arith.constant 0 : i32
      %dma_start3A_552 = tpu.memref_slice %arg6[%dma_start3A_550, %dma_start3A_551] : memref<10000x128xf32, #tpu.memory_space<vmem_shared>> -> memref<10000x128xf32, #tpu.memory_space<vmem_shared>>
      tpu.enqueue_indirect_dma source(%arg13 : memref<80x128xf32, #tpu.memory_space<vmem>>) target(%dma_start3A_552 : memref<10000x128xf32, #tpu.memory_space<vmem_shared>>) offsets(%arg9 : memref<80xi32, #tpu.memory_space<vmem>>) semaphore(%arg17 : memref<!tpu.dma_semaphore, #tpu.memory_space<semaphore_mem>>) {add = true}
      "tpu.region"() ({
        %run_scoped3A = tpu.sem_alloc : memref<!tpu.dma_semaphore, #tpu.memory_space<semaphore_mem>>
        %dma_start3A_611 = arith.constant 0 : i32
        %dma_start3A_612 = arith.constant 0 : i32
        %dma_start3A_613 = tpu.memref_slice %arg7[%dma_start3A_611, %dma_start3A_612] : memref<1280x128xf32, #tpu.memory_space<vmem_shared>> -> memref<1280x128xf32, #tpu.memory_space<vmem_shared>>
        tpu.enqueue_indirect_dma source(%arg14 : memref<80x128xf32, #tpu.memory_space<vmem>>) target(%dma_start3A_613 : memref<1280x128xf32, #tpu.memory_space<vmem_shared>>) offsets(%arg11 : memref<80xi32, #tpu.memory_space<vmem>>) semaphore(%run_scoped3A : memref<!tpu.dma_semaphore, #tpu.memory_space<semaphore_mem>>) {add = true}
        %dma_wait3A_614 = arith.constant 0 : i32
        %dma_wait3A_615 = arith.constant 0 : i32
        %dma_wait3A_616 = tpu.memref_slice %arg7[%dma_wait3A_614, %dma_wait3A_615] : memref<1280x128xf32, #tpu.memory_space<vmem_shared>> -> memref<1280x128xf32, #tpu.memory_space<vmem_shared>>
        tpu.wait_indirect_dma semaphore(%run_scoped3A : memref<!tpu.dma_semaphore, #tpu.memory_space<semaphore_mem>>) src(%arg14 : memref<80x128xf32, #tpu.memory_space<vmem>>) dst(%dma_wait3A_616 : memref<1280x128xf32, #tpu.memory_space<vmem_shared>>)
        tpu.yield
      }) : () -> ()
      %dma_wait3A_553 = arith.constant 0 : i32
      %dma_wait3A_554 = arith.constant 0 : i32
      %dma_wait3A_555 = tpu.memref_slice %arg6[%dma_wait3A_553, %dma_wait3A_554] : memref<10000x128xf32, #tpu.memory_space<vmem_shared>> -> memref<10000x128xf32, #tpu.memory_space<vmem_shared>>
      tpu.wait_indirect_dma semaphore(%arg17 : memref<!tpu.dma_semaphore, #tpu.memory_space<semaphore_mem>>) src(%arg13 : memref<80x128xf32, #tpu.memory_space<vmem>>) dst(%dma_wait3A_555 : memref<10000x128xf32, #tpu.memory_space<vmem_shared>>)
      %get3A_556 = arith.constant 0 : index
      %get3A_557 = tpu.vector_load %arg9[%get3A_556] {strides = array<i32>} : memref<80xi32, #tpu.memory_space<vmem>>, vector<16xi32>,
      %and3A_558 = arith.constant 7 : i32
      %and3A_559 = vector.broadcast %and3A_558 : i32 to vector<16xi32>
      %and3A_560 = arith.andi %get3A_557, %and3A_559 : vector<16xi32>
      %mul3A_561 = arith.constant 16 : i32
      %mul3A_562 = vector.broadcast %mul3A_561 : i32 to vector<16xi32>
      %mul3A_563 = arith.muli %and3A_560, %mul3A_562 : vector<16xi32>
      %add3A_564 = arith.constant 0 : i32
      %add3A_565 = vector.broadcast %add3A_564 : i32 to vector<16xi32>
      %add3A_566 = arith.addi %iota3A, %add3A_565 : vector<16xi32>
      tpu.vector_store_idx %arg14[%add3A_566, %mul3A_563], %broadcast_in_dim3A_3 : memref<80x128xf32, #tpu.memory_space<vmem>>[vector<16xi32>, vector<16xi32>], vector<16xf32>,
      %get3A_567 = arith.constant 16 : index
      %get3A_568 = tpu.vector_load %arg9[%get3A_567] {strides = array<i32>} : memref<80xi32, #tpu.memory_space<vmem>>, vector<16xi32>,
      %and3A_569 = arith.constant 7 : i32
      %and3A_570 = vector.broadcast %and3A_569 : i32 to vector<16xi32>
      %and3A_571 = arith.andi %get3A_568, %and3A_570 : vector<16xi32>
      %mul3A_572 = arith.constant 16 : i32
      %mul3A_573 = vector.broadcast %mul3A_572 : i32 to vector<16xi32>
      %mul3A_574 = arith.muli %and3A_571, %mul3A_573 : vector<16xi32>
      %add3A_575 = arith.constant 16 : i32
      %add3A_576 = vector.broadcast %add3A_575 : i32 to vector<16xi32>
      %add3A_577 = arith.addi %iota3A, %add3A_576 : vector<16xi32>
      tpu.vector_store_idx %arg14[%add3A_577, %mul3A_574], %broadcast_in_dim3A_3 : memref<80x128xf32, #tpu.memory_space<vmem>>[vector<16xi32>, vector<16xi32>], vector<16xf32>,
      %get3A_578 = arith.constant 32 : index
      %get3A_579 = tpu.vector_load %arg9[%get3A_578] {strides = array<i32>} : memref<80xi32, #tpu.memory_space<vmem>>, vector<16xi32>,
      %and3A_580 = arith.constant 7 : i32
      %and3A_581 = vector.broadcast %and3A_580 : i32 to vector<16xi32>
      %and3A_582 = arith.andi %get3A_579, %and3A_581 : vector<16xi32>
      %mul3A_583 = arith.constant 16 : i32
      %mul3A_584 = vector.broadcast %mul3A_583 : i32 to vector<16xi32>
      %mul3A_585 = arith.muli %and3A_582, %mul3A_584 : vector<16xi32>
      %add3A_586 = arith.constant 32 : i32
      %add3A_587 = vector.broadcast %add3A_586 : i32 to vector<16xi32>
      %add3A_588 = arith.addi %iota3A, %add3A_587 : vector<16xi32>
      tpu.vector_store_idx %arg14[%add3A_588, %mul3A_585], %broadcast_in_dim3A_3 : memref<80x128xf32, #tpu.memory_space<vmem>>[vector<16xi32>, vector<16xi32>], vector<16xf32>,
      %get3A_589 = arith.constant 48 : index
      %get3A_590 = tpu.vector_load %arg9[%get3A_589] {strides = array<i32>} : memref<80xi32, #tpu.memory_space<vmem>>, vector<16xi32>,
      %and3A_591 = arith.constant 7 : i32
      %and3A_592 = vector.broadcast %and3A_591 : i32 to vector<16xi32>
      %and3A_593 = arith.andi %get3A_590, %and3A_592 : vector<16xi32>
      %mul3A_594 = arith.constant 16 : i32
      %mul3A_595 = vector.broadcast %mul3A_594 : i32 to vector<16xi32>
      %mul3A_596 = arith.muli %and3A_593, %mul3A_595 : vector<16xi32>
      %add3A_597 = arith.constant 48 : i32
      %add3A_598 = vector.broadcast %add3A_597 : i32 to vector<16xi32>
      %add3A_599 = arith.addi %iota3A, %add3A_598 : vector<16xi32>
      tpu.vector_store_idx %arg14[%add3A_599, %mul3A_596], %broadcast_in_dim3A_3 : memref<80x128xf32, #tpu.memory_space<vmem>>[vector<16xi32>, vector<16xi32>], vector<16xf32>,
      %get3A_600 = arith.constant 64 : index
      %get3A_601 = tpu.vector_load %arg9[%get3A_600] {strides = array<i32>} : memref<80xi32, #tpu.memory_space<vmem>>, vector<16xi32>,
      %and3A_602 = arith.constant 7 : i32
      %and3A_603 = vector.broadcast %and3A_602 : i32 to vector<16xi32>
      %and3A_604 = arith.andi %get3A_601, %and3A_603 : vector<16xi32>
      %mul3A_605 = arith.constant 16 : i32
      %mul3A_606 = vector.broadcast %mul3A_605 : i32 to vector<16xi32>
      %mul3A_607 = arith.muli %and3A_604, %mul3A_606 : vector<16xi32>
      %add3A_608 = arith.constant 64 : i32
      %add3A_609 = vector.broadcast %add3A_608 : i32 to vector<16xi32>
      %add3A_610 = arith.addi %iota3A, %add3A_609 : vector<16xi32>
      tpu.vector_store_idx %arg14[%add3A_610, %mul3A_607], %broadcast_in_dim3A_3 : memref<80x128xf32, #tpu.memory_space<vmem>>[vector<16xi32>, vector<16xi32>], vector<16xf32>,
    }
    %scan3A_76 = arith.constant 62 : i32
    %add3A_77 = arith.constant 9920 : i32
    %add3A_78 = arith.addi %mul3A_2, %add3A_77 : i32
    %dma_wait3A = tpu.memref_slice %arg2[%add3A_78] : memref<640000xi32, #tpu.memory_space<hbm>> -> memref<80xi32, #tpu.memory_space<hbm>>
    %dma_wait3A_79 = tpu.memref_slice %arg2[%add3A_78] : memref<640000xi32, #tpu.memory_space<hbm>> -> memref<80xi32, #tpu.memory_space<hbm>>
    tpu.wait_dma2 semaphore(%arg15 : memref<!tpu.dma_semaphore, #tpu.memory_space<semaphore_mem>>) src(%dma_wait3A_79 : memref<80xi32, #tpu.memory_space<hbm>>) dst(%arg8 : memref<80xi32, #tpu.memory_space<vmem>>)
    %dma_wait3A_80 = arith.constant 0 : i32
    %dma_wait3A_81 = tpu.memref_slice %arg3[%add3A_78, %dma_wait3A_80] : memref<320000x128xf32, #tpu.memory_space<hbm>> -> memref<80x128xf32, #tpu.memory_space<hbm>>
    %dma_wait3A_82 = arith.constant 0 : i32
    %dma_wait3A_83 = tpu.memref_slice %arg3[%add3A_78, %dma_wait3A_82] : memref<320000x128xf32, #tpu.memory_space<hbm>> -> memref<80x128xf32, #tpu.memory_space<hbm>>
    tpu.wait_dma2 semaphore(%arg15 : memref<!tpu.dma_semaphore, #tpu.memory_space<semaphore_mem>>) src(%dma_wait3A_83 : memref<80x128xf32, #tpu.memory_space<hbm>>) dst(%arg12 : memref<80x128xf32, #tpu.memory_space<vmem>>)
    %get3A = arith.constant 0 : index
    %get3A_84 = tpu.vector_load %arg8[%get3A] {strides = array<i32>} : memref<80xi32, #tpu.memory_space<vmem>>, vector<16xi32>,
    %shift_right_logical3A = arith.constant 3 : i32
    %shift_right_logical3A_85 = vector.broadcast %shift_right_logical3A : i32 to vector<16xi32>
    %shift_right_logical3A_86 = arith.shrui %get3A_84, %shift_right_logical3A_85 : vector<16xi32>
    %swap3A = arith.constant 0 : index
    %swap3A_87 = tpu.vector_load %arg10[%swap3A] {strides = array<i32>} : memref<80xi32, #tpu.memory_space<vmem>>, vector<16xi32>,
    tpu.vector_store %arg10[%swap3A], %shift_right_logical3A_86 {strides = array<i32>} : memref<80xi32, #tpu.memory_space<vmem>>, vector<16xi32>,
    %and3A = arith.constant 7 : i32
    %and3A_88 = vector.broadcast %and3A : i32 to vector<16xi32>
    %and3A_89 = arith.andi %get3A_84, %and3A_88 : vector<16xi32>
    %mul3A_90 = arith.constant 16 : i32
    %mul3A_91 = vector.broadcast %mul3A_90 : i32 to vector<16xi32>
    %mul3A_92 = arith.muli %and3A_89, %mul3A_91 : vector<16xi32>
    %add3A_93 = arith.constant 0 : i32
    %add3A_94 = vector.broadcast %add3A_93 : i32 to vector<16xi32>
    %add3A_95 = arith.addi %iota3A, %add3A_94 : vector<16xi32>
    tpu.vector_store_idx %arg14[%add3A_95, %mul3A_92], %broadcast_in_dim3A_64 : memref<80x128xf32, #tpu.memory_space<vmem>>[vector<16xi32>, vector<16xi32>], vector<16xf32>,
    %get3A_96 = arith.constant 16 : index
    %get3A_97 = tpu.vector_load %arg8[%get3A_96] {strides = array<i32>} : memref<80xi32, #tpu.memory_space<vmem>>, vector<16xi32>,
    %shift_right_logical3A_98 = arith.constant 3 : i32
    %shift_right_logical3A_99 = vector.broadcast %shift_right_logical3A_98 : i32 to vector<16xi32>
    %shift_right_logical3A_100 = arith.shrui %get3A_97, %shift_right_logical3A_99 : vector<16xi32>
    %swap3A_101 = arith.constant 16 : index
    %swap3A_102 = tpu.vector_load %arg10[%swap3A_101] {strides = array<i32>} : memref<80xi32, #tpu.memory_space<vmem>>, vector<16xi32>,
    tpu.vector_store %arg10[%swap3A_101], %shift_right_logical3A_100 {strides = array<i32>} : memref<80xi32, #tpu.memory_space<vmem>>, vector<16xi32>,
    %and3A_103 = arith.constant 7 : i32
    %and3A_104 = vector.broadcast %and3A_103 : i32 to vector<16xi32>
    %and3A_105 = arith.andi %get3A_97, %and3A_104 : vector<16xi32>
    %mul3A_106 = arith.constant 16 : i32
    %mul3A_107 = vector.broadcast %mul3A_106 : i32 to vector<16xi32>
    %mul3A_108 = arith.muli %and3A_105, %mul3A_107 : vector<16xi32>
    %add3A_109 = arith.constant 16 : i32
    %add3A_110 = vector.broadcast %add3A_109 : i32 to vector<16xi32>
    %add3A_111 = arith.addi %iota3A, %add3A_110 : vector<16xi32>
    tpu.vector_store_idx %arg14[%add3A_111, %mul3A_108], %broadcast_in_dim3A_64 : memref<80x128xf32, #tpu.memory_space<vmem>>[vector<16xi32>, vector<16xi32>], vector<16xf32>,
    %get3A_112 = arith.constant 32 : index
    %get3A_113 = tpu.vector_load %arg8[%get3A_112] {strides = array<i32>} : memref<80xi32, #tpu.memory_space<vmem>>, vector<16xi32>,
    %shift_right_logical3A_114 = arith.constant 3 : i32
    %shift_right_logical3A_115 = vector.broadcast %shift_right_logical3A_114 : i32 to vector<16xi32>
    %shift_right_logical3A_116 = arith.shrui %get3A_113, %shift_right_logical3A_115 : vector<16xi32>
    %swap3A_117 = arith.constant 32 : index
    %swap3A_118 = tpu.vector_load %arg10[%swap3A_117] {strides = array<i32>} : memref<80xi32, #tpu.memory_space<vmem>>, vector<16xi32>,
    tpu.vector_store %arg10[%swap3A_117], %shift_right_logical3A_116 {strides = array<i32>} : memref<80xi32, #tpu.memory_space<vmem>>, vector<16xi32>,
    %and3A_119 = arith.constant 7 : i32
    %and3A_120 = vector.broadcast %and3A_119 : i32 to vector<16xi32>
    %and3A_121 = arith.andi %get3A_113, %and3A_120 : vector<16xi32>
    %mul3A_122 = arith.constant 16 : i32
    %mul3A_123 = vector.broadcast %mul3A_122 : i32 to vector<16xi32>
    %mul3A_124 = arith.muli %and3A_121, %mul3A_123 : vector<16xi32>
    %add3A_125 = arith.constant 32 : i32
    %add3A_126 = vector.broadcast %add3A_125 : i32 to vector<16xi32>
    %add3A_127 = arith.addi %iota3A, %add3A_126 : vector<16xi32>
    tpu.vector_store_idx %arg14[%add3A_127, %mul3A_124], %broadcast_in_dim3A_64 : memref<80x128xf32, #tpu.memory_space<vmem>>[vector<16xi32>, vector<16xi32>], vector<16xf32>,
    %get3A_128 = arith.constant 48 : index
    %get3A_129 = tpu.vector_load %arg8[%get3A_128] {strides = array<i32>} : memref<80xi32, #tpu.memory_space<vmem>>, vector<16xi32>,
    %shift_right_logical3A_130 = arith.constant 3 : i32
    %shift_right_logical3A_131 = vector.broadcast %shift_right_logical3A_130 : i32 to vector<16xi32>
    %shift_right_logical3A_132 = arith.shrui %get3A_129, %shift_right_logical3A_131 : vector<16xi32>
    %swap3A_133 = arith.constant 48 : index
    %swap3A_134 = tpu.vector_load %arg10[%swap3A_133] {strides = array<i32>} : memref<80xi32, #tpu.memory_space<vmem>>, vector<16xi32>,
    tpu.vector_store %arg10[%swap3A_133], %shift_right_logical3A_132 {strides = array<i32>} : memref<80xi32, #tpu.memory_space<vmem>>, vector<16xi32>,
    %and3A_135 = arith.constant 7 : i32
    %and3A_136 = vector.broadcast %and3A_135 : i32 to vector<16xi32>
    %and3A_137 = arith.andi %get3A_129, %and3A_136 : vector<16xi32>
    %mul3A_138 = arith.constant 16 : i32
    %mul3A_139 = vector.broadcast %mul3A_138 : i32 to vector<16xi32>
    %mul3A_140 = arith.muli %and3A_137, %mul3A_139 : vector<16xi32>
    %add3A_141 = arith.constant 48 : i32
    %add3A_142 = vector.broadcast %add3A_141 : i32 to vector<16xi32>
    %add3A_143 = arith.addi %iota3A, %add3A_142 : vector<16xi32>
    tpu.vector_store_idx %arg14[%add3A_143, %mul3A_140], %broadcast_in_dim3A_64 : memref<80x128xf32, #tpu.memory_space<vmem>>[vector<16xi32>, vector<16xi32>], vector<16xf32>,
    %get3A_144 = arith.constant 64 : index
    %get3A_145 = tpu.vector_load %arg8[%get3A_144] {strides = array<i32>} : memref<80xi32, #tpu.memory_space<vmem>>, vector<16xi32>,
    %shift_right_logical3A_146 = arith.constant 3 : i32
    %shift_right_logical3A_147 = vector.broadcast %shift_right_logical3A_146 : i32 to vector<16xi32>
    %shift_right_logical3A_148 = arith.shrui %get3A_145, %shift_right_logical3A_147 : vector<16xi32>
    %swap3A_149 = arith.constant 64 : index
    %swap3A_150 = tpu.vector_load %arg10[%swap3A_149] {strides = array<i32>} : memref<80xi32, #tpu.memory_space<vmem>>, vector<16xi32>,
    tpu.vector_store %arg10[%swap3A_149], %shift_right_logical3A_148 {strides = array<i32>} : memref<80xi32, #tpu.memory_space<vmem>>, vector<16xi32>,
    %and3A_151 = arith.constant 7 : i32
    %and3A_152 = vector.broadcast %and3A_151 : i32 to vector<16xi32>
    %and3A_153 = arith.andi %get3A_145, %and3A_152 : vector<16xi32>
    %mul3A_154 = arith.constant 16 : i32
    %mul3A_155 = vector.broadcast %mul3A_154 : i32 to vector<16xi32>
    %mul3A_156 = arith.muli %and3A_153, %mul3A_155 : vector<16xi32>
    %add3A_157 = arith.constant 64 : i32
    %add3A_158 = vector.broadcast %add3A_157 : i32 to vector<16xi32>
    %add3A_159 = arith.addi %iota3A, %add3A_158 : vector<16xi32>
    tpu.vector_store_idx %arg14[%add3A_159, %mul3A_156], %broadcast_in_dim3A_64 : memref<80x128xf32, #tpu.memory_space<vmem>>[vector<16xi32>, vector<16xi32>], vector<16xf32>,
    %dma_start3A_160 = arith.constant 0 : i32
    %dma_start3A_161 = arith.constant 0 : i32
    %dma_start3A_162 = tpu.memref_slice %arg6[%dma_start3A_160, %dma_start3A_161] : memref<10000x128xf32, #tpu.memory_space<vmem_shared>> -> memref<10000x128xf32, #tpu.memory_space<vmem_shared>>
    tpu.enqueue_indirect_dma source(%arg12 : memref<80x128xf32, #tpu.memory_space<vmem>>) target(%dma_start3A_162 : memref<10000x128xf32, #tpu.memory_space<vmem_shared>>) offsets(%arg8 : memref<80xi32, #tpu.memory_space<vmem>>) semaphore(%arg17 : memref<!tpu.dma_semaphore, #tpu.memory_space<semaphore_mem>>) {add = true}
    "tpu.region"() ({
      %run_scoped3A = tpu.sem_alloc : memref<!tpu.dma_semaphore, #tpu.memory_space<semaphore_mem>>
      %dma_start3A_282 = arith.constant 0 : i32
      %dma_start3A_283 = arith.constant 0 : i32
      %dma_start3A_284 = tpu.memref_slice %arg7[%dma_start3A_282, %dma_start3A_283] : memref<1280x128xf32, #tpu.memory_space<vmem_shared>> -> memref<1280x128xf32, #tpu.memory_space<vmem_shared>>
      tpu.enqueue_indirect_dma source(%arg14 : memref<80x128xf32, #tpu.memory_space<vmem>>) target(%dma_start3A_284 : memref<1280x128xf32, #tpu.memory_space<vmem_shared>>) offsets(%arg10 : memref<80xi32, #tpu.memory_space<vmem>>) semaphore(%run_scoped3A : memref<!tpu.dma_semaphore, #tpu.memory_space<semaphore_mem>>) {add = true}
      %dma_wait3A_285 = arith.constant 0 : i32
      %dma_wait3A_286 = arith.constant 0 : i32
      %dma_wait3A_287 = tpu.memref_slice %arg7[%dma_wait3A_285, %dma_wait3A_286] : memref<1280x128xf32, #tpu.memory_space<vmem_shared>> -> memref<1280x128xf32, #tpu.memory_space<vmem_shared>>
      tpu.wait_indirect_dma semaphore(%run_scoped3A : memref<!tpu.dma_semaphore, #tpu.memory_space<semaphore_mem>>) src(%arg14 : memref<80x128xf32, #tpu.memory_space<vmem>>) dst(%dma_wait3A_287 : memref<1280x128xf32, #tpu.memory_space<vmem_shared>>)
      tpu.yield
    }) : () -> ()
    %dma_wait3A_163 = arith.constant 0 : i32
    %dma_wait3A_164 = arith.constant 0 : i32
    %dma_wait3A_165 = tpu.memref_slice %arg6[%dma_wait3A_163, %dma_wait3A_164] : memref<10000x128xf32, #tpu.memory_space<vmem_shared>> -> memref<10000x128xf32, #tpu.memory_space<vmem_shared>>
    tpu.wait_indirect_dma semaphore(%arg17 : memref<!tpu.dma_semaphore, #tpu.memory_space<semaphore_mem>>) src(%arg12 : memref<80x128xf32, #tpu.memory_space<vmem>>) dst(%dma_wait3A_165 : memref<10000x128xf32, #tpu.memory_space<vmem_shared>>)
    %get3A_166 = arith.constant 0 : index
    %get3A_167 = tpu.vector_load %arg8[%get3A_166] {strides = array<i32>} : memref<80xi32, #tpu.memory_space<vmem>>, vector<16xi32>,
    %and3A_168 = arith.constant 7 : i32
    %and3A_169 = vector.broadcast %and3A_168 : i32 to vector<16xi32>
    %and3A_170 = arith.andi %get3A_167, %and3A_169 : vector<16xi32>
    %mul3A_171 = arith.constant 16 : i32
    %mul3A_172 = vector.broadcast %mul3A_171 : i32 to vector<16xi32>
    %mul3A_173 = arith.muli %and3A_170, %mul3A_172 : vector<16xi32>
    %add3A_174 = arith.constant 0 : i32
    %add3A_175 = vector.broadcast %add3A_174 : i32 to vector<16xi32>
    %add3A_176 = arith.addi %iota3A, %add3A_175 : vector<16xi32>
    tpu.vector_store_idx %arg14[%add3A_176, %mul3A_173], %broadcast_in_dim3A_3 : memref<80x128xf32, #tpu.memory_space<vmem>>[vector<16xi32>, vector<16xi32>], vector<16xf32>,
    %get3A_177 = arith.constant 16 : index
    %get3A_178 = tpu.vector_load %arg8[%get3A_177] {strides = array<i32>} : memref<80xi32, #tpu.memory_space<vmem>>, vector<16xi32>,
    %and3A_179 = arith.constant 7 : i32
    %and3A_180 = vector.broadcast %and3A_179 : i32 to vector<16xi32>
    %and3A_181 = arith.andi %get3A_178, %and3A_180 : vector<16xi32>
    %mul3A_182 = arith.constant 16 : i32
    %mul3A_183 = vector.broadcast %mul3A_182 : i32 to vector<16xi32>
    %mul3A_184 = arith.muli %and3A_181, %mul3A_183 : vector<16xi32>
    %add3A_185 = arith.constant 16 : i32
    %add3A_186 = vector.broadcast %add3A_185 : i32 to vector<16xi32>
    %add3A_187 = arith.addi %iota3A, %add3A_186 : vector<16xi32>
    tpu.vector_store_idx %arg14[%add3A_187, %mul3A_184], %broadcast_in_dim3A_3 : memref<80x128xf32, #tpu.memory_space<vmem>>[vector<16xi32>, vector<16xi32>], vector<16xf32>,
    %get3A_188 = arith.constant 32 : index
    %get3A_189 = tpu.vector_load %arg8[%get3A_188] {strides = array<i32>} : memref<80xi32, #tpu.memory_space<vmem>>, vector<16xi32>,
    %and3A_190 = arith.constant 7 : i32
    %and3A_191 = vector.broadcast %and3A_190 : i32 to vector<16xi32>
    %and3A_192 = arith.andi %get3A_189, %and3A_191 : vector<16xi32>
    %mul3A_193 = arith.constant 16 : i32
    %mul3A_194 = vector.broadcast %mul3A_193 : i32 to vector<16xi32>
    %mul3A_195 = arith.muli %and3A_192, %mul3A_194 : vector<16xi32>
    %add3A_196 = arith.constant 32 : i32
    %add3A_197 = vector.broadcast %add3A_196 : i32 to vector<16xi32>
    %add3A_198 = arith.addi %iota3A, %add3A_197 : vector<16xi32>
    tpu.vector_store_idx %arg14[%add3A_198, %mul3A_195], %broadcast_in_dim3A_3 : memref<80x128xf32, #tpu.memory_space<vmem>>[vector<16xi32>, vector<16xi32>], vector<16xf32>,
    %get3A_199 = arith.constant 48 : index
    %get3A_200 = tpu.vector_load %arg8[%get3A_199] {strides = array<i32>} : memref<80xi32, #tpu.memory_space<vmem>>, vector<16xi32>,
    %and3A_201 = arith.constant 7 : i32
    %and3A_202 = vector.broadcast %and3A_201 : i32 to vector<16xi32>
    %and3A_203 = arith.andi %get3A_200, %and3A_202 : vector<16xi32>
    %mul3A_204 = arith.constant 16 : i32
    %mul3A_205 = vector.broadcast %mul3A_204 : i32 to vector<16xi32>
    %mul3A_206 = arith.muli %and3A_203, %mul3A_205 : vector<16xi32>
    %add3A_207 = arith.constant 48 : i32
    %add3A_208 = vector.broadcast %add3A_207 : i32 to vector<16xi32>
    %add3A_209 = arith.addi %iota3A, %add3A_208 : vector<16xi32>
    tpu.vector_store_idx %arg14[%add3A_209, %mul3A_206], %broadcast_in_dim3A_3 : memref<80x128xf32, #tpu.memory_space<vmem>>[vector<16xi32>, vector<16xi32>], vector<16xf32>,
    %get3A_210 = arith.constant 64 : index
    %get3A_211 = tpu.vector_load %arg8[%get3A_210] {strides = array<i32>} : memref<80xi32, #tpu.memory_space<vmem>>, vector<16xi32>,
    %and3A_212 = arith.constant 7 : i32
    %and3A_213 = vector.broadcast %and3A_212 : i32 to vector<16xi32>
    %and3A_214 = arith.andi %get3A_211, %and3A_213 : vector<16xi32>
    %mul3A_215 = arith.constant 16 : i32
    %mul3A_216 = vector.broadcast %mul3A_215 : i32 to vector<16xi32>
    %mul3A_217 = arith.muli %and3A_214, %mul3A_216 : vector<16xi32>
    %add3A_218 = arith.constant 64 : i32
    %add3A_219 = vector.broadcast %add3A_218 : i32 to vector<16xi32>
    %add3A_220 = arith.addi %iota3A, %add3A_219 : vector<16xi32>
    tpu.vector_store_idx %arg14[%add3A_220, %mul3A_217], %broadcast_in_dim3A_3 : memref<80x128xf32, #tpu.memory_space<vmem>>[vector<16xi32>, vector<16xi32>], vector<16xf32>,
    %barrier3A_221 = arith.constant 0 : index
    tpu.barrier barrier_id(%barrier3A_221)
    %add3A_222 = arith.constant 0 : i32
    %add3A_223 = arith.addi %add3A_222, %arg1 : i32
    %lt3A_224 = arith.constant 125 : i32
    %lt3A_225 = arith.cmpi slt, %add3A_223, %lt3A_224 : i32
    %convert_element_type3A_226 = arith.extui %lt3A_225 : i1 to i32
    %cond3A_227 = arith.constant 0 : i32
    %cond3A_228 = arith.cmpi ne, %convert_element_type3A_226, %cond3A_227 : i32
    scf.if %cond3A_228 {
      %mul3A_282 = arith.constant 80 : i32
      %mul3A_283 = arith.muli %add3A_223, %mul3A_282 : i32
      %mul3A_284 = arith.constant 80 : i32
      %mul3A_285 = arith.muli %add3A_223, %mul3A_284 : i32
      "tpu.region"() ({
        %run_scoped3A = tpu.sem_alloc : memref<!tpu.dma_semaphore, #tpu.memory_space<semaphore_mem>>
        %dma_start3A_286 = arith.constant 0 : i32
        %dma_start3A_287 = tpu.memref_slice %arg4[%arg0, %mul3A_285, %dma_start3A_286] : memref<2x10000x128xf32, #tpu.memory_space<hbm>> -> memref<1x80x128xf32, #tpu.memory_space<hbm>>
        %dma_start3A_288 = tpu.memref_squeeze %dma_start3A_287 : memref<1x80x128xf32, #tpu.memory_space<hbm>> -> memref<80x128xf32, #tpu.memory_space<hbm>>
        %dma_start3A_289 = arith.constant 0 : i32
        %dma_start3A_290 = tpu.memref_slice %arg6[%mul3A_283, %dma_start3A_289] : memref<10000x128xf32, #tpu.memory_space<vmem_shared>> -> memref<80x128xf32, #tpu.memory_space<vmem_shared>>
        tpu.enqueue_dma source(%dma_start3A_290 : memref<80x128xf32, #tpu.memory_space<vmem_shared>>) target(%dma_start3A_288 : memref<80x128xf32, #tpu.memory_space<hbm>>) target_semaphore(%run_scoped3A : memref<!tpu.dma_semaphore, #tpu.memory_space<semaphore_mem>>)
        %dma_wait3A_291 = arith.constant 0 : i32
        %dma_wait3A_292 = tpu.memref_slice %arg4[%arg0, %mul3A_285, %dma_wait3A_291] : memref<2x10000x128xf32, #tpu.memory_space<hbm>> -> memref<1x80x128xf32, #tpu.memory_space<hbm>>
        %dma_wait3A_293 = tpu.memref_squeeze %dma_wait3A_292 : memref<1x80x128xf32, #tpu.memory_space<hbm>> -> memref<80x128xf32, #tpu.memory_space<hbm>>
        %dma_wait3A_294 = arith.constant 0 : i32
        %dma_wait3A_295 = tpu.memref_slice %arg6[%mul3A_283, %dma_wait3A_294] : memref<10000x128xf32, #tpu.memory_space<vmem_shared>> -> memref<80x128xf32, #tpu.memory_space<vmem_shared>>
        tpu.wait_dma2 semaphore(%run_scoped3A : memref<!tpu.dma_semaphore, #tpu.memory_space<semaphore_mem>>) src(%dma_wait3A_295 : memref<80x128xf32, #tpu.memory_space<vmem_shared>>) dst(%dma_wait3A_293 : memref<80x128xf32, #tpu.memory_space<hbm>>)
        tpu.yield
      }) : () -> ()
    } else {
    }
    %add3A_229 = arith.constant 16 : i32
    %add3A_230 = arith.addi %add3A_229, %arg1 : i32
    %lt3A_231 = arith.constant 125 : i32
    %lt3A_232 = arith.cmpi slt, %add3A_230, %lt3A_231 : i32
    %convert_element_type3A_233 = arith.extui %lt3A_232 : i1 to i32
    %cond3A_234 = arith.constant 0 : i32
    %cond3A_235 = arith.cmpi ne, %convert_element_type3A_233, %cond3A_234 : i32
    scf.if %cond3A_235 {
      %mul3A_282 = arith.constant 80 : i32
      %mul3A_283 = arith.muli %add3A_230, %mul3A_282 : i32
      %mul3A_284 = arith.constant 80 : i32
      %mul3A_285 = arith.muli %add3A_230, %mul3A_284 : i32
      "tpu.region"() ({
        %run_scoped3A = tpu.sem_alloc : memref<!tpu.dma_semaphore, #tpu.memory_space<semaphore_mem>>
        %dma_start3A_286 = arith.constant 0 : i32
        %dma_start3A_287 = tpu.memref_slice %arg4[%arg0, %mul3A_285, %dma_start3A_286] : memref<2x10000x128xf32, #tpu.memory_space<hbm>> -> memref<1x80x128xf32, #tpu.memory_space<hbm>>
        %dma_start3A_288 = tpu.memref_squeeze %dma_start3A_287 : memref<1x80x128xf32, #tpu.memory_space<hbm>> -> memref<80x128xf32, #tpu.memory_space<hbm>>
        %dma_start3A_289 = arith.constant 0 : i32
        %dma_start3A_290 = tpu.memref_slice %arg6[%mul3A_283, %dma_start3A_289] : memref<10000x128xf32, #tpu.memory_space<vmem_shared>> -> memref<80x128xf32, #tpu.memory_space<vmem_shared>>
        tpu.enqueue_dma source(%dma_start3A_290 : memref<80x128xf32, #tpu.memory_space<vmem_shared>>) target(%dma_start3A_288 : memref<80x128xf32, #tpu.memory_space<hbm>>) target_semaphore(%run_scoped3A : memref<!tpu.dma_semaphore, #tpu.memory_space<semaphore_mem>>)
        %dma_wait3A_291 = arith.constant 0 : i32
        %dma_wait3A_292 = tpu.memref_slice %arg4[%arg0, %mul3A_285, %dma_wait3A_291] : memref<2x10000x128xf32, #tpu.memory_space<hbm>> -> memref<1x80x128xf32, #tpu.memory_space<hbm>>
        %dma_wait3A_293 = tpu.memref_squeeze %dma_wait3A_292 : memref<1x80x128xf32, #tpu.memory_space<hbm>> -> memref<80x128xf32, #tpu.memory_space<hbm>>
        %dma_wait3A_294 = arith.constant 0 : i32
        %dma_wait3A_295 = tpu.memref_slice %arg6[%mul3A_283, %dma_wait3A_294] : memref<10000x128xf32, #tpu.memory_space<vmem_shared>> -> memref<80x128xf32, #tpu.memory_space<vmem_shared>>
        tpu.wait_dma2 semaphore(%run_scoped3A : memref<!tpu.dma_semaphore, #tpu.memory_space<semaphore_mem>>) src(%dma_wait3A_295 : memref<80x128xf32, #tpu.memory_space<vmem_shared>>) dst(%dma_wait3A_293 : memref<80x128xf32, #tpu.memory_space<hbm>>)
        tpu.yield
      }) : () -> ()
    } else {
    }
    %add3A_236 = arith.constant 32 : i32
    %add3A_237 = arith.addi %add3A_236, %arg1 : i32
    %lt3A_238 = arith.constant 125 : i32
    %lt3A_239 = arith.cmpi slt, %add3A_237, %lt3A_238 : i32
    %convert_element_type3A_240 = arith.extui %lt3A_239 : i1 to i32
    %cond3A_241 = arith.constant 0 : i32
    %cond3A_242 = arith.cmpi ne, %convert_element_type3A_240, %cond3A_241 : i32
    scf.if %cond3A_242 {
      %mul3A_282 = arith.constant 80 : i32
      %mul3A_283 = arith.muli %add3A_237, %mul3A_282 : i32
      %mul3A_284 = arith.constant 80 : i32
      %mul3A_285 = arith.muli %add3A_237, %mul3A_284 : i32
      "tpu.region"() ({
        %run_scoped3A = tpu.sem_alloc : memref<!tpu.dma_semaphore, #tpu.memory_space<semaphore_mem>>
        %dma_start3A_286 = arith.constant 0 : i32
        %dma_start3A_287 = tpu.memref_slice %arg4[%arg0, %mul3A_285, %dma_start3A_286] : memref<2x10000x128xf32, #tpu.memory_space<hbm>> -> memref<1x80x128xf32, #tpu.memory_space<hbm>>
        %dma_start3A_288 = tpu.memref_squeeze %dma_start3A_287 : memref<1x80x128xf32, #tpu.memory_space<hbm>> -> memref<80x128xf32, #tpu.memory_space<hbm>>
        %dma_start3A_289 = arith.constant 0 : i32
        %dma_start3A_290 = tpu.memref_slice %arg6[%mul3A_283, %dma_start3A_289] : memref<10000x128xf32, #tpu.memory_space<vmem_shared>> -> memref<80x128xf32, #tpu.memory_space<vmem_shared>>
        tpu.enqueue_dma source(%dma_start3A_290 : memref<80x128xf32, #tpu.memory_space<vmem_shared>>) target(%dma_start3A_288 : memref<80x128xf32, #tpu.memory_space<hbm>>) target_semaphore(%run_scoped3A : memref<!tpu.dma_semaphore, #tpu.memory_space<semaphore_mem>>)
        %dma_wait3A_291 = arith.constant 0 : i32
        %dma_wait3A_292 = tpu.memref_slice %arg4[%arg0, %mul3A_285, %dma_wait3A_291] : memref<2x10000x128xf32, #tpu.memory_space<hbm>> -> memref<1x80x128xf32, #tpu.memory_space<hbm>>
        %dma_wait3A_293 = tpu.memref_squeeze %dma_wait3A_292 : memref<1x80x128xf32, #tpu.memory_space<hbm>> -> memref<80x128xf32, #tpu.memory_space<hbm>>
        %dma_wait3A_294 = arith.constant 0 : i32
        %dma_wait3A_295 = tpu.memref_slice %arg6[%mul3A_283, %dma_wait3A_294] : memref<10000x128xf32, #tpu.memory_space<vmem_shared>> -> memref<80x128xf32, #tpu.memory_space<vmem_shared>>
        tpu.wait_dma2 semaphore(%run_scoped3A : memref<!tpu.dma_semaphore, #tpu.memory_space<semaphore_mem>>) src(%dma_wait3A_295 : memref<80x128xf32, #tpu.memory_space<vmem_shared>>) dst(%dma_wait3A_293 : memref<80x128xf32, #tpu.memory_space<hbm>>)
        tpu.yield
      }) : () -> ()
    } else {
    }
    %add3A_243 = arith.constant 48 : i32
    %add3A_244 = arith.addi %add3A_243, %arg1 : i32
    %lt3A_245 = arith.constant 125 : i32
    %lt3A_246 = arith.cmpi slt, %add3A_244, %lt3A_245 : i32
    %convert_element_type3A_247 = arith.extui %lt3A_246 : i1 to i32
    %cond3A_248 = arith.constant 0 : i32
    %cond3A_249 = arith.cmpi ne, %convert_element_type3A_247, %cond3A_248 : i32
    scf.if %cond3A_249 {
      %mul3A_282 = arith.constant 80 : i32
      %mul3A_283 = arith.muli %add3A_244, %mul3A_282 : i32
      %mul3A_284 = arith.constant 80 : i32
      %mul3A_285 = arith.muli %add3A_244, %mul3A_284 : i32
      "tpu.region"() ({
        %run_scoped3A = tpu.sem_alloc : memref<!tpu.dma_semaphore, #tpu.memory_space<semaphore_mem>>
        %dma_start3A_286 = arith.constant 0 : i32
        %dma_start3A_287 = tpu.memref_slice %arg4[%arg0, %mul3A_285, %dma_start3A_286] : memref<2x10000x128xf32, #tpu.memory_space<hbm>> -> memref<1x80x128xf32, #tpu.memory_space<hbm>>
        %dma_start3A_288 = tpu.memref_squeeze %dma_start3A_287 : memref<1x80x128xf32, #tpu.memory_space<hbm>> -> memref<80x128xf32, #tpu.memory_space<hbm>>
        %dma_start3A_289 = arith.constant 0 : i32
        %dma_start3A_290 = tpu.memref_slice %arg6[%mul3A_283, %dma_start3A_289] : memref<10000x128xf32, #tpu.memory_space<vmem_shared>> -> memref<80x128xf32, #tpu.memory_space<vmem_shared>>
        tpu.enqueue_dma source(%dma_start3A_290 : memref<80x128xf32, #tpu.memory_space<vmem_shared>>) target(%dma_start3A_288 : memref<80x128xf32, #tpu.memory_space<hbm>>) target_semaphore(%run_scoped3A : memref<!tpu.dma_semaphore, #tpu.memory_space<semaphore_mem>>)
        %dma_wait3A_291 = arith.constant 0 : i32
        %dma_wait3A_292 = tpu.memref_slice %arg4[%arg0, %mul3A_285, %dma_wait3A_291] : memref<2x10000x128xf32, #tpu.memory_space<hbm>> -> memref<1x80x128xf32, #tpu.memory_space<hbm>>
        %dma_wait3A_293 = tpu.memref_squeeze %dma_wait3A_292 : memref<1x80x128xf32, #tpu.memory_space<hbm>> -> memref<80x128xf32, #tpu.memory_space<hbm>>
        %dma_wait3A_294 = arith.constant 0 : i32
        %dma_wait3A_295 = tpu.memref_slice %arg6[%mul3A_283, %dma_wait3A_294] : memref<10000x128xf32, #tpu.memory_space<vmem_shared>> -> memref<80x128xf32, #tpu.memory_space<vmem_shared>>
        tpu.wait_dma2 semaphore(%run_scoped3A : memref<!tpu.dma_semaphore, #tpu.memory_space<semaphore_mem>>) src(%dma_wait3A_295 : memref<80x128xf32, #tpu.memory_space<vmem_shared>>) dst(%dma_wait3A_293 : memref<80x128xf32, #tpu.memory_space<hbm>>)
        tpu.yield
      }) : () -> ()
    } else {
    }
    %add3A_250 = arith.constant 64 : i32
    %add3A_251 = arith.addi %add3A_250, %arg1 : i32
    %lt3A_252 = arith.constant 125 : i32
    %lt3A_253 = arith.cmpi slt, %add3A_251, %lt3A_252 : i32
    %convert_element_type3A_254 = arith.extui %lt3A_253 : i1 to i32
    %cond3A_255 = arith.constant 0 : i32
    %cond3A_256 = arith.cmpi ne, %convert_element_type3A_254, %cond3A_255 : i32
    scf.if %cond3A_256 {
      %mul3A_282 = arith.constant 80 : i32
      %mul3A_283 = arith.muli %add3A_251, %mul3A_282 : i32
      %mul3A_284 = arith.constant 80 : i32
      %mul3A_285 = arith.muli %add3A_251, %mul3A_284 : i32
      "tpu.region"() ({
        %run_scoped3A = tpu.sem_alloc : memref<!tpu.dma_semaphore, #tpu.memory_space<semaphore_mem>>
        %dma_start3A_286 = arith.constant 0 : i32
        %dma_start3A_287 = tpu.memref_slice %arg4[%arg0, %mul3A_285, %dma_start3A_286] : memref<2x10000x128xf32, #tpu.memory_space<hbm>> -> memref<1x80x128xf32, #tpu.memory_space<hbm>>
        %dma_start3A_288 = tpu.memref_squeeze %dma_start3A_287 : memref<1x80x128xf32, #tpu.memory_space<hbm>> -> memref<80x128xf32, #tpu.memory_space<hbm>>
        %dma_start3A_289 = arith.constant 0 : i32
        %dma_start3A_290 = tpu.memref_slice %arg6[%mul3A_283, %dma_start3A_289] : memref<10000x128xf32, #tpu.memory_space<vmem_shared>> -> memref<80x128xf32, #tpu.memory_space<vmem_shared>>
        tpu.enqueue_dma source(%dma_start3A_290 : memref<80x128xf32, #tpu.memory_space<vmem_shared>>) target(%dma_start3A_288 : memref<80x128xf32, #tpu.memory_space<hbm>>) target_semaphore(%run_scoped3A : memref<!tpu.dma_semaphore, #tpu.memory_space<semaphore_mem>>)
        %dma_wait3A_291 = arith.constant 0 : i32
        %dma_wait3A_292 = tpu.memref_slice %arg4[%arg0, %mul3A_285, %dma_wait3A_291] : memref<2x10000x128xf32, #tpu.memory_space<hbm>> -> memref<1x80x128xf32, #tpu.memory_space<hbm>>
        %dma_wait3A_293 = tpu.memref_squeeze %dma_wait3A_292 : memref<1x80x128xf32, #tpu.memory_space<hbm>> -> memref<80x128xf32, #tpu.memory_space<hbm>>
        %dma_wait3A_294 = arith.constant 0 : i32
        %dma_wait3A_295 = tpu.memref_slice %arg6[%mul3A_283, %dma_wait3A_294] : memref<10000x128xf32, #tpu.memory_space<vmem_shared>> -> memref<80x128xf32, #tpu.memory_space<vmem_shared>>
        tpu.wait_dma2 semaphore(%run_scoped3A : memref<!tpu.dma_semaphore, #tpu.memory_space<semaphore_mem>>) src(%dma_wait3A_295 : memref<80x128xf32, #tpu.memory_space<vmem_shared>>) dst(%dma_wait3A_293 : memref<80x128xf32, #tpu.memory_space<hbm>>)
        tpu.yield
      }) : () -> ()
    } else {
    }
    %add3A_257 = arith.constant 80 : i32
    %add3A_258 = arith.addi %add3A_257, %arg1 : i32
    %lt3A_259 = arith.constant 125 : i32
    %lt3A_260 = arith.cmpi slt, %add3A_258, %lt3A_259 : i32
    %convert_element_type3A_261 = arith.extui %lt3A_260 : i1 to i32
    %cond3A_262 = arith.constant 0 : i32
    %cond3A_263 = arith.cmpi ne, %convert_element_type3A_261, %cond3A_262 : i32
    scf.if %cond3A_263 {
      %mul3A_282 = arith.constant 80 : i32
      %mul3A_283 = arith.muli %add3A_258, %mul3A_282 : i32
      %mul3A_284 = arith.constant 80 : i32
      %mul3A_285 = arith.muli %add3A_258, %mul3A_284 : i32
      "tpu.region"() ({
        %run_scoped3A = tpu.sem_alloc : memref<!tpu.dma_semaphore, #tpu.memory_space<semaphore_mem>>
        %dma_start3A_286 = arith.constant 0 : i32
        %dma_start3A_287 = tpu.memref_slice %arg4[%arg0, %mul3A_285, %dma_start3A_286] : memref<2x10000x128xf32, #tpu.memory_space<hbm>> -> memref<1x80x128xf32, #tpu.memory_space<hbm>>
        %dma_start3A_288 = tpu.memref_squeeze %dma_start3A_287 : memref<1x80x128xf32, #tpu.memory_space<hbm>> -> memref<80x128xf32, #tpu.memory_space<hbm>>
        %dma_start3A_289 = arith.constant 0 : i32
        %dma_start3A_290 = tpu.memref_slice %arg6[%mul3A_283, %dma_start3A_289] : memref<10000x128xf32, #tpu.memory_space<vmem_shared>> -> memref<80x128xf32, #tpu.memory_space<vmem_shared>>
        tpu.enqueue_dma source(%dma_start3A_290 : memref<80x128xf32, #tpu.memory_space<vmem_shared>>) target(%dma_start3A_288 : memref<80x128xf32, #tpu.memory_space<hbm>>) target_semaphore(%run_scoped3A : memref<!tpu.dma_semaphore, #tpu.memory_space<semaphore_mem>>)
        %dma_wait3A_291 = arith.constant 0 : i32
        %dma_wait3A_292 = tpu.memref_slice %arg4[%arg0, %mul3A_285, %dma_wait3A_291] : memref<2x10000x128xf32, #tpu.memory_space<hbm>> -> memref<1x80x128xf32, #tpu.memory_space<hbm>>
        %dma_wait3A_293 = tpu.memref_squeeze %dma_wait3A_292 : memref<1x80x128xf32, #tpu.memory_space<hbm>> -> memref<80x128xf32, #tpu.memory_space<hbm>>
        %dma_wait3A_294 = arith.constant 0 : i32
        %dma_wait3A_295 = tpu.memref_slice %arg6[%mul3A_283, %dma_wait3A_294] : memref<10000x128xf32, #tpu.memory_space<vmem_shared>> -> memref<80x128xf32, #tpu.memory_space<vmem_shared>>
        tpu.wait_dma2 semaphore(%run_scoped3A : memref<!tpu.dma_semaphore, #tpu.memory_space<semaphore_mem>>) src(%dma_wait3A_295 : memref<80x128xf32, #tpu.memory_space<vmem_shared>>) dst(%dma_wait3A_293 : memref<80x128xf32, #tpu.memory_space<hbm>>)
        tpu.yield
      }) : () -> ()
    } else {
    }
    %add3A_264 = arith.constant 96 : i32
    %add3A_265 = arith.addi %add3A_264, %arg1 : i32
    %lt3A_266 = arith.constant 125 : i32
    %lt3A_267 = arith.cmpi slt, %add3A_265, %lt3A_266 : i32
    %convert_element_type3A_268 = arith.extui %lt3A_267 : i1 to i32
    %cond3A_269 = arith.constant 0 : i32
    %cond3A_270 = arith.cmpi ne, %convert_element_type3A_268, %cond3A_269 : i32
    scf.if %cond3A_270 {
      %mul3A_282 = arith.constant 80 : i32
      %mul3A_283 = arith.muli %add3A_265, %mul3A_282 : i32
      %mul3A_284 = arith.constant 80 : i32
      %mul3A_285 = arith.muli %add3A_265, %mul3A_284 : i32
      "tpu.region"() ({
        %run_scoped3A = tpu.sem_alloc : memref<!tpu.dma_semaphore, #tpu.memory_space<semaphore_mem>>
        %dma_start3A_286 = arith.constant 0 : i32
        %dma_start3A_287 = tpu.memref_slice %arg4[%arg0, %mul3A_285, %dma_start3A_286] : memref<2x10000x128xf32, #tpu.memory_space<hbm>> -> memref<1x80x128xf32, #tpu.memory_space<hbm>>
        %dma_start3A_288 = tpu.memref_squeeze %dma_start3A_287 : memref<1x80x128xf32, #tpu.memory_space<hbm>> -> memref<80x128xf32, #tpu.memory_space<hbm>>
        %dma_start3A_289 = arith.constant 0 : i32
        %dma_start3A_290 = tpu.memref_slice %arg6[%mul3A_283, %dma_start3A_289] : memref<10000x128xf32, #tpu.memory_space<vmem_shared>> -> memref<80x128xf32, #tpu.memory_space<vmem_shared>>
        tpu.enqueue_dma source(%dma_start3A_290 : memref<80x128xf32, #tpu.memory_space<vmem_shared>>) target(%dma_start3A_288 : memref<80x128xf32, #tpu.memory_space<hbm>>) target_semaphore(%run_scoped3A : memref<!tpu.dma_semaphore, #tpu.memory_space<semaphore_mem>>)
        %dma_wait3A_291 = arith.constant 0 : i32
        %dma_wait3A_292 = tpu.memref_slice %arg4[%arg0, %mul3A_285, %dma_wait3A_291] : memref<2x10000x128xf32, #tpu.memory_space<hbm>> -> memref<1x80x128xf32, #tpu.memory_space<hbm>>
        %dma_wait3A_293 = tpu.memref_squeeze %dma_wait3A_292 : memref<1x80x128xf32, #tpu.memory_space<hbm>> -> memref<80x128xf32, #tpu.memory_space<hbm>>
        %dma_wait3A_294 = arith.constant 0 : i32
        %dma_wait3A_295 = tpu.memref_slice %arg6[%mul3A_283, %dma_wait3A_294] : memref<10000x128xf32, #tpu.memory_space<vmem_shared>> -> memref<80x128xf32, #tpu.memory_space<vmem_shared>>
        tpu.wait_dma2 semaphore(%run_scoped3A : memref<!tpu.dma_semaphore, #tpu.memory_space<semaphore_mem>>) src(%dma_wait3A_295 : memref<80x128xf32, #tpu.memory_space<vmem_shared>>) dst(%dma_wait3A_293 : memref<80x128xf32, #tpu.memory_space<hbm>>)
        tpu.yield
      }) : () -> ()
    } else {
    }
    %add3A_271 = arith.constant 112 : i32
    %add3A_272 = arith.addi %add3A_271, %arg1 : i32
    %lt3A_273 = arith.constant 125 : i32
    %lt3A_274 = arith.cmpi slt, %add3A_272, %lt3A_273 : i32
    %convert_element_type3A_275 = arith.extui %lt3A_274 : i1 to i32
    %cond3A_276 = arith.constant 0 : i32
    %cond3A_277 = arith.cmpi ne, %convert_element_type3A_275, %cond3A_276 : i32
    scf.if %cond3A_277 {
      %mul3A_282 = arith.constant 80 : i32
      %mul3A_283 = arith.muli %add3A_272, %mul3A_282 : i32
      %mul3A_284 = arith.constant 80 : i32
      %mul3A_285 = arith.muli %add3A_272, %mul3A_284 : i32
      "tpu.region"() ({
        %run_scoped3A = tpu.sem_alloc : memref<!tpu.dma_semaphore, #tpu.memory_space<semaphore_mem>>
        %dma_start3A_286 = arith.constant 0 : i32
        %dma_start3A_287 = tpu.memref_slice %arg4[%arg0, %mul3A_285, %dma_start3A_286] : memref<2x10000x128xf32, #tpu.memory_space<hbm>> -> memref<1x80x128xf32, #tpu.memory_space<hbm>>
        %dma_start3A_288 = tpu.memref_squeeze %dma_start3A_287 : memref<1x80x128xf32, #tpu.memory_space<hbm>> -> memref<80x128xf32, #tpu.memory_space<hbm>>
        %dma_start3A_289 = arith.constant 0 : i32
        %dma_start3A_290 = tpu.memref_slice %arg6[%mul3A_283, %dma_start3A_289] : memref<10000x128xf32, #tpu.memory_space<vmem_shared>> -> memref<80x128xf32, #tpu.memory_space<vmem_shared>>
        tpu.enqueue_dma source(%dma_start3A_290 : memref<80x128xf32, #tpu.memory_space<vmem_shared>>) target(%dma_start3A_288 : memref<80x128xf32, #tpu.memory_space<hbm>>) target_semaphore(%run_scoped3A : memref<!tpu.dma_semaphore, #tpu.memory_space<semaphore_mem>>)
        %dma_wait3A_291 = arith.constant 0 : i32
        %dma_wait3A_292 = tpu.memref_slice %arg4[%arg0, %mul3A_285, %dma_wait3A_291] : memref<2x10000x128xf32, #tpu.memory_space<hbm>> -> memref<1x80x128xf32, #tpu.memory_space<hbm>>
        %dma_wait3A_293 = tpu.memref_squeeze %dma_wait3A_292 : memref<1x80x128xf32, #tpu.memory_space<hbm>> -> memref<80x128xf32, #tpu.memory_space<hbm>>
        %dma_wait3A_294 = arith.constant 0 : i32
        %dma_wait3A_295 = tpu.memref_slice %arg6[%mul3A_283, %dma_wait3A_294] : memref<10000x128xf32, #tpu.memory_space<vmem_shared>> -> memref<80x128xf32, #tpu.memory_space<vmem_shared>>
        tpu.wait_dma2 semaphore(%run_scoped3A : memref<!tpu.dma_semaphore, #tpu.memory_space<semaphore_mem>>) src(%dma_wait3A_295 : memref<80x128xf32, #tpu.memory_space<vmem_shared>>) dst(%dma_wait3A_293 : memref<80x128xf32, #tpu.memory_space<hbm>>)
        tpu.yield
      }) : () -> ()
    } else {
    }
    %mul3A_278 = arith.constant 80 : i32
    %mul3A_279 = arith.muli %arg1, %mul3A_278 : i32
    %mul3A_280 = arith.constant 80 : i32
    %mul3A_281 = arith.muli %arg1, %mul3A_280 : i32
    "tpu.region"() ({
      %run_scoped3A = tpu.sem_alloc : memref<!tpu.dma_semaphore, #tpu.memory_space<semaphore_mem>>
      %dma_start3A_282 = arith.constant 0 : i32
      %dma_start3A_283 = tpu.memref_slice %arg5[%arg0, %mul3A_281, %dma_start3A_282] : memref<2x1280x128xf32, #tpu.memory_space<hbm>> -> memref<1x80x128xf32, #tpu.memory_space<hbm>>
      %dma_start3A_284 = tpu.memref_squeeze %dma_start3A_283 : memref<1x80x128xf32, #tpu.memory_space<hbm>> -> memref<80x128xf32, #tpu.memory_space<hbm>>
      %dma_start3A_285 = arith.constant 0 : i32
      %dma_start3A_286 = tpu.memref_slice %arg7[%mul3A_279, %dma_start3A_285] : memref<1280x128xf32, #tpu.memory_space<vmem_shared>> -> memref<80x128xf32, #tpu.memory_space<vmem_shared>>
      tpu.enqueue_dma source(%dma_start3A_286 : memref<80x128xf32, #tpu.memory_space<vmem_shared>>) target(%dma_start3A_284 : memref<80x128xf32, #tpu.memory_space<hbm>>) target_semaphore(%run_scoped3A : memref<!tpu.dma_semaphore, #tpu.memory_space<semaphore_mem>>)
      %dma_wait3A_287 = arith.constant 0 : i32
      %dma_wait3A_288 = tpu.memref_slice %arg5[%arg0, %mul3A_281, %dma_wait3A_287] : memref<2x1280x128xf32, #tpu.memory_space<hbm>> -> memref<1x80x128xf32, #tpu.memory_space<hbm>>
      %dma_wait3A_289 = tpu.memref_squeeze %dma_wait3A_288 : memref<1x80x128xf32, #tpu.memory_space<hbm>> -> memref<80x128xf32, #tpu.memory_space<hbm>>
      %dma_wait3A_290 = arith.constant 0 : i32
      %dma_wait3A_291 = tpu.memref_slice %arg7[%mul3A_279, %dma_wait3A_290] : memref<1280x128xf32, #tpu.memory_space<vmem_shared>> -> memref<80x128xf32, #tpu.memory_space<vmem_shared>>
      tpu.wait_dma2 semaphore(%run_scoped3A : memref<!tpu.dma_semaphore, #tpu.memory_space<semaphore_mem>>) src(%dma_wait3A_291 : memref<80x128xf32, #tpu.memory_space<vmem_shared>>) dst(%dma_wait3A_289 : memref<80x128xf32, #tpu.memory_space<hbm>>)
      tpu.yield
    }) : () -> ()
    return
  }
}

module attributes {stable_mosaic.version = 14 : i64} {
  func.func @_tc_body(%arg0: memref<2x10000x128xf32, #tpu.memory_space<vmem>>, %arg1: memref<2x10000x16xf32, #tpu.memory_space<vmem>>, %arg2: memref<10000x128xf32, #tpu.memory_space<vmem>>, %arg3: memref<10000x1xi32, #tpu.memory_space<vmem>>, %arg4: memref<64x128xf32, #tpu.memory_space<vmem>>, %arg5: memref<384x128xf32, #tpu.memory_space<vmem>>, %arg6: memref<1x128xf32, #tpu.memory_space<vmem>>, %arg7: memref<128x128xf32, #tpu.memory_space<vmem>>, %arg8: memref<1x128xf32, #tpu.memory_space<vmem>>, %arg9: memref<128x128xf32, #tpu.memory_space<vmem>>, %arg10: memref<1x128xf32, #tpu.memory_space<vmem>>, %arg11: memref<1x128xf32, #tpu.memory_space<vmem>>, %arg12: memref<1x128xf32, #tpu.memory_space<vmem>>, %arg13: memref<1x128xf32, #tpu.memory_space<vmem>>, %arg14: memref<1x128xf32, #tpu.memory_space<vmem>>, %arg15: memref<1x128xf32, #tpu.memory_space<vmem>>, %arg16: memref<1x128xf32, #tpu.memory_space<vmem>>, %arg17: memref<10000x128xf32, #tpu.memory_space<vmem>>) attributes {dimension_semantics = [], scalar_prefetch = 0 : i64, scratch_operands = 0 : i64, tpu.core_type = #tpu.core_type<tc>} {
    %get3A = arith.constant 0 : index
    %get3A_0 = arith.constant 0 : index
    %get3A_1 = arith.constant 0 : index
    %get3A_2 = vector.load %arg0[%get3A, %get3A_0, %get3A_1] : memref<2x10000x128xf32, #tpu.memory_space<vmem>>, vector<2x10000x128xf32>
    %get3A_3 = arith.constant 0 : index
    %get3A_4 = arith.constant 0 : index
    %get3A_5 = arith.constant 0 : index
    %get3A_6 = vector.load %arg1[%get3A_3, %get3A_4, %get3A_5] : memref<2x10000x16xf32, #tpu.memory_space<vmem>>, vector<2x10000x16xf32>
    %slice3A = vector.extract_strided_slice %get3A_6 {offsets = [0, 0, 0], sizes = [1, 10000, 16], strides = [1, 1, 1]} : vector<2x10000x16xf32> to vector<1x10000x16xf32>
    %squeeze3A = vector.shape_cast %slice3A : vector<1x10000x16xf32> to vector<10000x16xf32>
    %reduce_sum3A = arith.constant dense<0.000000e+00> : vector<10000xf32>
    %reduce_sum3A_7 = vector.multi_reduction <add>, %squeeze3A, %reduce_sum3A [1] : vector<10000x16xf32> to vector<10000xf32>
    %broadcast_in_dim3A = vector.shape_cast %reduce_sum3A_7 : vector<10000xf32> to vector<10000x1xf32>
    %slice3A_8 = vector.extract_strided_slice %get3A_6 {offsets = [1, 0, 0], sizes = [1, 10000, 16], strides = [1, 1, 1]} : vector<2x10000x16xf32> to vector<1x10000x16xf32>
    %squeeze3A_9 = vector.shape_cast %slice3A_8 : vector<1x10000x16xf32> to vector<10000x16xf32>
    %reduce_sum3A_10 = arith.constant dense<0.000000e+00> : vector<10000xf32>
    %reduce_sum3A_11 = vector.multi_reduction <add>, %squeeze3A_9, %reduce_sum3A_10 [1] : vector<10000x16xf32> to vector<10000xf32>
    %broadcast_in_dim3A_12 = vector.shape_cast %reduce_sum3A_11 : vector<10000xf32> to vector<10000x1xf32>
    %add3A = arith.addf %broadcast_in_dim3A, %broadcast_in_dim3A_12 : vector<10000x1xf32>
    %slice3A_13 = vector.extract_strided_slice %get3A_2 {offsets = [0, 0, 0], sizes = [1, 10000, 128], strides = [1, 1, 1]} : vector<2x10000x128xf32> to vector<1x10000x128xf32>
    %squeeze3A_14 = vector.shape_cast %slice3A_13 : vector<1x10000x128xf32> to vector<10000x128xf32>
    %slice3A_15 = vector.extract_strided_slice %get3A_2 {offsets = [1, 0, 0], sizes = [1, 10000, 128], strides = [1, 1, 1]} : vector<2x10000x128xf32> to vector<1x10000x128xf32>
    %squeeze3A_16 = vector.shape_cast %slice3A_15 : vector<1x10000x128xf32> to vector<10000x128xf32>
    %add3A_17 = arith.addf %squeeze3A_14, %squeeze3A_16 : vector<10000x128xf32>
    %max3A = arith.constant 1.000000e+00 : f32
    %max3A_18 = vector.broadcast %max3A : f32 to vector<10000x1xf32>
    %max3A_19 = arith.maximumf %add3A, %max3A_18 : vector<10000x1xf32>
    %div3A = vector.broadcast %max3A_19 : vector<10000x1xf32> to vector<10000x128xf32>
    %div3A_20 = arith.divf %add3A_17, %div3A : vector<10000x128xf32>
    %get3A_21 = arith.constant 0 : index
    %get3A_22 = arith.constant 0 : index
    %get3A_23 = vector.load %arg3[%get3A_21, %get3A_22] : memref<10000x1xi32, #tpu.memory_space<vmem>>, vector<10000x1xi32>
    %iota3A = tpu.iota {dimensions = array<i32: 1>} : vector<1x64xi32>
    %eq3A = vector.broadcast %get3A_23 : vector<10000x1xi32> to vector<10000x64xi32>
    %eq3A_24 = vector.broadcast %iota3A : vector<1x64xi32> to vector<10000x64xi32>
    %eq3A_25 = arith.cmpi eq, %eq3A, %eq3A_24 : vector<10000x64xi32>
    %convert_element_type3A = arith.extui %eq3A_25 : vector<10000x64xi1> to vector<10000x64xi32>
    %convert_element_type3A_26 = arith.sitofp %convert_element_type3A : vector<10000x64xi32> to vector<10000x64xf32>
    %get3A_27 = arith.constant 0 : index
    %get3A_28 = arith.constant 0 : index
    %get3A_29 = vector.load %arg4[%get3A_27, %get3A_28] : memref<64x128xf32, #tpu.memory_space<vmem>>, vector<64x128xf32>
    %get3A_30 = arith.constant 256 : index
    %get3A_31 = arith.constant 0 : index
    %get3A_32 = vector.load %arg5[%get3A_30, %get3A_31] : memref<384x128xf32, #tpu.memory_space<vmem>>, vector<128x128xf32>
    %dot_general3A = arith.constant dense<0.000000e+00> : vector<64x128xf32>
    %dot_general3A_33 = tpu.matmul %get3A_29, %get3A_32, %dot_general3A {dimension_numbers = #tpu.dot_dimension_numbers<[1], [0], [0], [1], [0, 0, 1, 1], [], []>, transpose_lhs_hint = false} : vector<64x128xf32>, vector<128x128xf32>, vector<64x128xf32> -> vector<64x128xf32>
    %get3A_34 = arith.constant 0 : index
    %get3A_35 = arith.constant 0 : index
    %get3A_36 = vector.load %arg2[%get3A_34, %get3A_35] : memref<10000x128xf32, #tpu.memory_space<vmem>>, vector<10000x128xf32>
    %get3A_37 = arith.constant 0 : index
    %get3A_38 = arith.constant 0 : index
    %get3A_39 = vector.load %arg5[%get3A_37, %get3A_38] : memref<384x128xf32, #tpu.memory_space<vmem>>, vector<128x128xf32>
    %dot_general3A_40 = arith.constant dense<0.000000e+00> : vector<10000x128xf32>
    %dot_general3A_41 = tpu.matmul %get3A_36, %get3A_39, %dot_general3A_40 {dimension_numbers = #tpu.dot_dimension_numbers<[1], [0], [0], [1], [0, 0, 1, 1], [], []>, transpose_lhs_hint = false} : vector<10000x128xf32>, vector<128x128xf32>, vector<10000x128xf32> -> vector<10000x128xf32>
    %get3A_42 = arith.constant 128 : index
    %get3A_43 = arith.constant 0 : index
    %get3A_44 = vector.load %arg5[%get3A_42, %get3A_43] : memref<384x128xf32, #tpu.memory_space<vmem>>, vector<128x128xf32>
    %dot_general3A_45 = arith.constant dense<0.000000e+00> : vector<10000x128xf32>
    %dot_general3A_46 = tpu.matmul %div3A_20, %get3A_44, %dot_general3A_45 {dimension_numbers = #tpu.dot_dimension_numbers<[1], [0], [0], [1], [0, 0, 1, 1], [], []>, transpose_lhs_hint = false} : vector<10000x128xf32>, vector<128x128xf32>, vector<10000x128xf32> -> vector<10000x128xf32>
    %add3A_47 = arith.addf %dot_general3A_41, %dot_general3A_46 : vector<10000x128xf32>
    %dot_general3A_48 = arith.constant dense<0.000000e+00> : vector<10000x128xf32>
    %dot_general3A_49 = tpu.matmul %convert_element_type3A_26, %dot_general3A_33, %dot_general3A_48 {dimension_numbers = #tpu.dot_dimension_numbers<[1], [0], [0], [1], [0, 0, 1, 1], [], []>, transpose_lhs_hint = false} : vector<10000x64xf32>, vector<64x128xf32>, vector<10000x128xf32> -> vector<10000x128xf32>
    %add3A_50 = arith.addf %add3A_47, %dot_general3A_49 : vector<10000x128xf32>
    %get3A_51 = arith.constant 0 : index
    %get3A_52 = arith.constant 0 : index
    %get3A_53 = vector.load %arg6[%get3A_51, %get3A_52] : memref<1x128xf32, #tpu.memory_space<vmem>>, vector<1x128xf32>
    %add3A_54 = vector.broadcast %get3A_53 : vector<1x128xf32> to vector<10000x128xf32>
    %add3A_55 = arith.addf %add3A_50, %add3A_54 : vector<10000x128xf32>
    %max3A_56 = arith.constant 0.000000e+00 : f32
    %max3A_57 = vector.broadcast %max3A_56 : f32 to vector<10000x128xf32>
    %max3A_58 = arith.maximumf %add3A_55, %max3A_57 : vector<10000x128xf32>
    %get3A_59 = arith.constant 0 : index
    %get3A_60 = arith.constant 0 : index
    %get3A_61 = vector.load %arg11[%get3A_59, %get3A_60] : memref<1x128xf32, #tpu.memory_space<vmem>>, vector<1x128xf32>
    %get3A_62 = arith.constant 0 : index
    %get3A_63 = arith.constant 0 : index
    %get3A_64 = vector.load %arg12[%get3A_62, %get3A_63] : memref<1x128xf32, #tpu.memory_space<vmem>>, vector<1x128xf32>
    %reduce_sum3A_65 = arith.constant dense<0.000000e+00> : vector<128xf32>
    %reduce_sum3A_66 = vector.multi_reduction <add>, %max3A_58, %reduce_sum3A_65 [0] : vector<10000x128xf32> to vector<128xf32>
    %broadcast_in_dim3A_67 = vector.shape_cast %reduce_sum3A_66 : vector<128xf32> to vector<1x128xf32>
    %div3A_68 = arith.constant 1.000000e+04 : f32
    %div3A_69 = vector.broadcast %div3A_68 : f32 to vector<1x128xf32>
    %div3A_70 = arith.divf %broadcast_in_dim3A_67, %div3A_69 : vector<1x128xf32>
    %mul3A = arith.mulf %max3A_58, %max3A_58 : vector<10000x128xf32>
    %reduce_sum3A_71 = arith.constant dense<0.000000e+00> : vector<128xf32>
    %reduce_sum3A_72 = vector.multi_reduction <add>, %mul3A, %reduce_sum3A_71 [0] : vector<10000x128xf32> to vector<128xf32>
    %broadcast_in_dim3A_73 = vector.shape_cast %reduce_sum3A_72 : vector<128xf32> to vector<1x128xf32>
    %div3A_74 = arith.constant 1.000000e+04 : f32
    %div3A_75 = vector.broadcast %div3A_74 : f32 to vector<1x128xf32>
    %div3A_76 = arith.divf %broadcast_in_dim3A_73, %div3A_75 : vector<1x128xf32>
    %mul3A_77 = arith.mulf %div3A_70, %div3A_70 : vector<1x128xf32>
    %sub3A = arith.subf %div3A_76, %mul3A_77 : vector<1x128xf32>
    %add3A_78 = arith.constant 9.99999974E-6 : f32
    %add3A_79 = vector.broadcast %add3A_78 : f32 to vector<1x128xf32>
    %add3A_80 = arith.addf %sub3A, %add3A_79 : vector<1x128xf32>
    %sqrt3A = math.sqrt %add3A_80 : vector<1x128xf32>
    %div3A_81 = arith.divf %get3A_61, %sqrt3A : vector<1x128xf32>
    %mul3A_82 = arith.mulf %div3A_81, %div3A_70 : vector<1x128xf32>
    %sub3A_83 = arith.subf %get3A_64, %mul3A_82 : vector<1x128xf32>
    %reshape3A = vector.shape_cast %div3A_81 : vector<1x128xf32> to vector<128x1xf32>
    %get3A_84 = arith.constant 0 : index
    %get3A_85 = arith.constant 0 : index
    %get3A_86 = vector.load %arg7[%get3A_84, %get3A_85] : memref<128x128xf32, #tpu.memory_space<vmem>>, vector<128x128xf32>
    %mul3A_87 = vector.broadcast %reshape3A : vector<128x1xf32> to vector<128x128xf32>
    %mul3A_88 = arith.mulf %mul3A_87, %get3A_86 : vector<128x128xf32>
    %dot_general3A_89 = arith.constant dense<0.000000e+00> : vector<10000x128xf32>
    %dot_general3A_90 = tpu.matmul %max3A_58, %mul3A_88, %dot_general3A_89 {dimension_numbers = #tpu.dot_dimension_numbers<[1], [0], [0], [1], [0, 0, 1, 1], [], []>, transpose_lhs_hint = false} : vector<10000x128xf32>, vector<128x128xf32>, vector<10000x128xf32> -> vector<10000x128xf32>
    %get3A_91 = arith.constant 0 : index
    %get3A_92 = arith.constant 0 : index
    %get3A_93 = vector.load %arg7[%get3A_91, %get3A_92] : memref<128x128xf32, #tpu.memory_space<vmem>>, vector<128x128xf32>
    %dot_general3A_94 = arith.constant dense<0.000000e+00> : vector<1x128xf32>
    %dot_general3A_95 = tpu.matmul %sub3A_83, %get3A_93, %dot_general3A_94 {dimension_numbers = #tpu.dot_dimension_numbers<[1], [0], [0], [1], [0, 0, 1, 1], [], []>, transpose_lhs_hint = false} : vector<1x128xf32>, vector<128x128xf32>, vector<1x128xf32> -> vector<1x128xf32>
    %get3A_96 = arith.constant 0 : index
    %get3A_97 = arith.constant 0 : index
    %get3A_98 = vector.load %arg8[%get3A_96, %get3A_97] : memref<1x128xf32, #tpu.memory_space<vmem>>, vector<1x128xf32>
    %add3A_99 = arith.addf %dot_general3A_95, %get3A_98 : vector<1x128xf32>
    %add3A_100 = vector.broadcast %add3A_99 : vector<1x128xf32> to vector<10000x128xf32>
    %add3A_101 = arith.addf %dot_general3A_90, %add3A_100 : vector<10000x128xf32>
    %max3A_102 = arith.constant 0.000000e+00 : f32
    %max3A_103 = vector.broadcast %max3A_102 : f32 to vector<10000x128xf32>
    %max3A_104 = arith.maximumf %add3A_101, %max3A_103 : vector<10000x128xf32>
    %get3A_105 = arith.constant 0 : index
    %get3A_106 = arith.constant 0 : index
    %get3A_107 = vector.load %arg13[%get3A_105, %get3A_106] : memref<1x128xf32, #tpu.memory_space<vmem>>, vector<1x128xf32>
    %get3A_108 = arith.constant 0 : index
    %get3A_109 = arith.constant 0 : index
    %get3A_110 = vector.load %arg14[%get3A_108, %get3A_109] : memref<1x128xf32, #tpu.memory_space<vmem>>, vector<1x128xf32>
    %reduce_sum3A_111 = arith.constant dense<0.000000e+00> : vector<128xf32>
    %reduce_sum3A_112 = vector.multi_reduction <add>, %max3A_104, %reduce_sum3A_111 [0] : vector<10000x128xf32> to vector<128xf32>
    %broadcast_in_dim3A_113 = vector.shape_cast %reduce_sum3A_112 : vector<128xf32> to vector<1x128xf32>
    %div3A_114 = arith.constant 1.000000e+04 : f32
    %div3A_115 = vector.broadcast %div3A_114 : f32 to vector<1x128xf32>
    %div3A_116 = arith.divf %broadcast_in_dim3A_113, %div3A_115 : vector<1x128xf32>
    %mul3A_117 = arith.mulf %max3A_104, %max3A_104 : vector<10000x128xf32>
    %reduce_sum3A_118 = arith.constant dense<0.000000e+00> : vector<128xf32>
    %reduce_sum3A_119 = vector.multi_reduction <add>, %mul3A_117, %reduce_sum3A_118 [0] : vector<10000x128xf32> to vector<128xf32>
    %broadcast_in_dim3A_120 = vector.shape_cast %reduce_sum3A_119 : vector<128xf32> to vector<1x128xf32>
    %div3A_121 = arith.constant 1.000000e+04 : f32
    %div3A_122 = vector.broadcast %div3A_121 : f32 to vector<1x128xf32>
    %div3A_123 = arith.divf %broadcast_in_dim3A_120, %div3A_122 : vector<1x128xf32>
    %mul3A_124 = arith.mulf %div3A_116, %div3A_116 : vector<1x128xf32>
    %sub3A_125 = arith.subf %div3A_123, %mul3A_124 : vector<1x128xf32>
    %add3A_126 = arith.constant 9.99999974E-6 : f32
    %add3A_127 = vector.broadcast %add3A_126 : f32 to vector<1x128xf32>
    %add3A_128 = arith.addf %sub3A_125, %add3A_127 : vector<1x128xf32>
    %sqrt3A_129 = math.sqrt %add3A_128 : vector<1x128xf32>
    %div3A_130 = arith.divf %get3A_107, %sqrt3A_129 : vector<1x128xf32>
    %mul3A_131 = arith.mulf %div3A_130, %div3A_116 : vector<1x128xf32>
    %sub3A_132 = arith.subf %get3A_110, %mul3A_131 : vector<1x128xf32>
    %reshape3A_133 = vector.shape_cast %div3A_130 : vector<1x128xf32> to vector<128x1xf32>
    %get3A_134 = arith.constant 0 : index
    %get3A_135 = arith.constant 0 : index
    %get3A_136 = vector.load %arg9[%get3A_134, %get3A_135] : memref<128x128xf32, #tpu.memory_space<vmem>>, vector<128x128xf32>
    %mul3A_137 = vector.broadcast %reshape3A_133 : vector<128x1xf32> to vector<128x128xf32>
    %mul3A_138 = arith.mulf %mul3A_137, %get3A_136 : vector<128x128xf32>
    %dot_general3A_139 = arith.constant dense<0.000000e+00> : vector<10000x128xf32>
    %dot_general3A_140 = tpu.matmul %max3A_104, %mul3A_138, %dot_general3A_139 {dimension_numbers = #tpu.dot_dimension_numbers<[1], [0], [0], [1], [0, 0, 1, 1], [], []>, transpose_lhs_hint = false} : vector<10000x128xf32>, vector<128x128xf32>, vector<10000x128xf32> -> vector<10000x128xf32>
    %get3A_141 = arith.constant 0 : index
    %get3A_142 = arith.constant 0 : index
    %get3A_143 = vector.load %arg9[%get3A_141, %get3A_142] : memref<128x128xf32, #tpu.memory_space<vmem>>, vector<128x128xf32>
    %dot_general3A_144 = arith.constant dense<0.000000e+00> : vector<1x128xf32>
    %dot_general3A_145 = tpu.matmul %sub3A_132, %get3A_143, %dot_general3A_144 {dimension_numbers = #tpu.dot_dimension_numbers<[1], [0], [0], [1], [0, 0, 1, 1], [], []>, transpose_lhs_hint = false} : vector<1x128xf32>, vector<128x128xf32>, vector<1x128xf32> -> vector<1x128xf32>
    %get3A_146 = arith.constant 0 : index
    %get3A_147 = arith.constant 0 : index
    %get3A_148 = vector.load %arg10[%get3A_146, %get3A_147] : memref<1x128xf32, #tpu.memory_space<vmem>>, vector<1x128xf32>
    %add3A_149 = arith.addf %dot_general3A_145, %get3A_148 : vector<1x128xf32>
    %add3A_150 = vector.broadcast %add3A_149 : vector<1x128xf32> to vector<10000x128xf32>
    %add3A_151 = arith.addf %dot_general3A_140, %add3A_150 : vector<10000x128xf32>
    %max3A_152 = arith.constant 0.000000e+00 : f32
    %max3A_153 = vector.broadcast %max3A_152 : f32 to vector<10000x128xf32>
    %max3A_154 = arith.maximumf %add3A_151, %max3A_153 : vector<10000x128xf32>
    %get3A_155 = arith.constant 0 : index
    %get3A_156 = arith.constant 0 : index
    %get3A_157 = vector.load %arg15[%get3A_155, %get3A_156] : memref<1x128xf32, #tpu.memory_space<vmem>>, vector<1x128xf32>
    %get3A_158 = arith.constant 0 : index
    %get3A_159 = arith.constant 0 : index
    %get3A_160 = vector.load %arg16[%get3A_158, %get3A_159] : memref<1x128xf32, #tpu.memory_space<vmem>>, vector<1x128xf32>
    %reduce_sum3A_161 = arith.constant dense<0.000000e+00> : vector<128xf32>
    %reduce_sum3A_162 = vector.multi_reduction <add>, %max3A_154, %reduce_sum3A_161 [0] : vector<10000x128xf32> to vector<128xf32>
    %broadcast_in_dim3A_163 = vector.shape_cast %reduce_sum3A_162 : vector<128xf32> to vector<1x128xf32>
    %div3A_164 = arith.constant 1.000000e+04 : f32
    %div3A_165 = vector.broadcast %div3A_164 : f32 to vector<1x128xf32>
    %div3A_166 = arith.divf %broadcast_in_dim3A_163, %div3A_165 : vector<1x128xf32>
    %mul3A_167 = arith.mulf %max3A_154, %max3A_154 : vector<10000x128xf32>
    %reduce_sum3A_168 = arith.constant dense<0.000000e+00> : vector<128xf32>
    %reduce_sum3A_169 = vector.multi_reduction <add>, %mul3A_167, %reduce_sum3A_168 [0] : vector<10000x128xf32> to vector<128xf32>
    %broadcast_in_dim3A_170 = vector.shape_cast %reduce_sum3A_169 : vector<128xf32> to vector<1x128xf32>
    %div3A_171 = arith.constant 1.000000e+04 : f32
    %div3A_172 = vector.broadcast %div3A_171 : f32 to vector<1x128xf32>
    %div3A_173 = arith.divf %broadcast_in_dim3A_170, %div3A_172 : vector<1x128xf32>
    %mul3A_174 = arith.mulf %div3A_166, %div3A_166 : vector<1x128xf32>
    %sub3A_175 = arith.subf %div3A_173, %mul3A_174 : vector<1x128xf32>
    %add3A_176 = arith.constant 9.99999974E-6 : f32
    %add3A_177 = vector.broadcast %add3A_176 : f32 to vector<1x128xf32>
    %add3A_178 = arith.addf %sub3A_175, %add3A_177 : vector<1x128xf32>
    %sqrt3A_179 = math.sqrt %add3A_178 : vector<1x128xf32>
    %div3A_180 = arith.divf %get3A_157, %sqrt3A_179 : vector<1x128xf32>
    %mul3A_181 = arith.mulf %div3A_180, %div3A_166 : vector<1x128xf32>
    %sub3A_182 = arith.subf %get3A_160, %mul3A_181 : vector<1x128xf32>
    %mul3A_183 = vector.broadcast %div3A_180 : vector<1x128xf32> to vector<10000x128xf32>
    %mul3A_184 = arith.mulf %mul3A_183, %max3A_154 : vector<10000x128xf32>
    %add3A_185 = vector.broadcast %sub3A_182 : vector<1x128xf32> to vector<10000x128xf32>
    %add3A_186 = arith.addf %mul3A_184, %add3A_185 : vector<10000x128xf32>
    %swap3A = arith.constant 0 : index
    %swap3A_187 = arith.constant 0 : index
    %swap3A_188 = vector.load %arg17[%swap3A, %swap3A_187] : memref<10000x128xf32, #tpu.memory_space<vmem>>, vector<10000x128xf32>
    tpu.vector_store %arg17[%swap3A, %swap3A_187], %add3A_186 {strides = array<i32>} : memref<10000x128xf32, #tpu.memory_space<vmem>>, vector<10000x128xf32>,
    return
  }
}

</mosaic_0001>

<sc_bundles>
// kernel: kernel.4.cloned.1.call-start
scs
__scs_entry_jumppad:
0x0: {  	(pc) =	sbr.rel $0x88, $3  }
0x1: {  	(tag) =	ssettag $0x0;
	lr =	simm.s32 $0x1  }
0x2: {  	[smem:$0x3F90] =	sst lr;
	_ =	strace $0xD0000000  }
0x3: {  	_ = 	snop  }
0x4: {  	_ = 	snop  }
0x5: {  	_ = 	snop  }
0x6: {  	_ = 	snop  }
0x7: {  	_ = 	snop  }
__scs_overlays_trampoline_lowered:
0x8: {  	[smem:$0x3F9F] =	sst s0  }
0x9: {  	[smem:$0x3FA0] =	sst s1  }
0xa: {  	[smem:$0x3FA1] =	sst s2  }
0xb: {  	[smem:$0x3FA2] =	sst s3  }
0xc: {  	[smem:$0x3FA3] =	sst s4  }
0xd: {  	[smem:$0x3FA4] =	sst s5  }
0xe: {  	[smem:$0x3FA5] =	sst s6  }
0xf: {  	[smem:$0x3FA6] =	sst s7  }
0x10: {  	[smem:$0x3FA7] =	sst s8  }
0x11: {  	[smem:$0x3FA8] =	sst s9;
	s0 =	simm.s32 @!p0 $0x0  }
0x12: {  	s1 =	sld [smem:$0x3F8E];
	s0 =	simm.s32 @p0 $0x1  }
0x13: {  	[smem:$0x3FA9] =	sst s0;
	s0 =	simm.s32 @!p1 $0x0  }
0x14: {  	s2 =	sld [smem:$0x3F8D];
	s0 =	simm.s32 @p1 $0x1  }
0x15: {  	[smem:$0x3FAA] =	sst s0;
	s0 =	simm.s32 @!p2 $0x0  }
0x16: {  	s3 =	sld [smem:$0x3FDB];
	s0 =	simm.s32 @p2 $0x1  }
0x17: {  	s4 =	simm.s32 $0x1BF5;
	[smem:$0x3FAC] =	sst s0  }
0x18: {  	s0 =	sld [smem:$0x3F8F];
	_ =	swait.ge [sflag:s4], $0x0  }
0x19: {  	s7 =	sld [smem:$0x3F90]  }
0x1a: {  	s8 =	sadd.s32 $0xFFFFE003, lr  }
0x1b: {  	s9 =	sadd.s32 $0xFFFFFEF7, lr;
	s5 =	simm.s32 $0xFFFFFFFF;
	p2 =	slt.u32 s8, $0xFFFFF086  }
0x1c: {  	p1 =	slt.u32 s9, $0xF7A;
	s5 =	simm.s32 @!p2 $0x0  }
0x1d: {  	s5 =	simm.s32 @p1 $0x1;
	p0 =	seq.s32 s7, s2  }
0x1e: {  	s7 =	smul.u32 @!p0 $0xF7A, s2;
	p2 =	seq.s32 @!p0 s5, $0x0  }
0x1f: {  	s9 =	smul.u32 $0xF7A, s1;
	s8 =	simm.s32 @!p0 $0x1BF5;
	p2 =	por !p2, p0  }
0x20: {  	[sflag:s8] =	ssyncset.s32 @!p0 $0xFFFFF086;
	s6 =	sadd.s32 @!p0 s3, s7;
	s7 =	simm.s32 @!p0 $0x108  }
0x21: {  	s3 =	sadd.s32 s3, s9;
	s6 =	sadd.s32 @!p0 $0x88, s6;
	s7 =	simm.s32 @p2 $0x1082  }
0x22: {  	[simem:s7], [sflag:s8] =	dma.local @!p0 [hbm:s6], $0xF7A  }
0x23: {  	s9 =	sor.u32 $0xD0000000, s2;
	s6 =	simm.s32 $0x108;
	_ =	swait.ge @!p0 [sflag:s8], $0x0  }
0x24: {  	s3 =	sadd.s32 $0x88, s3;
	s6 =	simm.s32 @!p1 $0x1082;
	[sflag:s4] =	ssyncset.s32 $0xFFFFF086  }
0x25: {  	[simem:s6], [sflag:s4] =	dma.local [hbm:s3], $0xF7A  }
0x26: {  	[smem:$0x3F90] =	sst s1;
	(tag) =	ssettag s2;
	_ =	strace s9  }
0x27: {  	s1 =	sld [smem:$0x3FA0]  }
0x28: {  	s2 =	sld [smem:$0x3FA1]  }
0x29: {  	s4 =	sld [smem:$0x3FA3]  }
0x2a: {  	p0 =	seq.s32 s5, $0x0;
	s5 =	sld [smem:$0x3FA4]  }
0x2b: {  	s6 =	sld [smem:$0x3FA5]  }
0x2c: {  	s7 =	sld [smem:$0x3FA6]  }
0x2d: {  	s3 =	simm.s32 $0x108;
	s8 =	sld [smem:$0x3FA7]  }
0x2e: {  	s3 =	simm.s32 @!p0 $0x1082;
	s9 =	sld [smem:$0x3FA8]  }
0x2f: {  	lr =	sadd.s32 s0, s3;
	s0 =	sld [smem:$0x3F9F]  }
0x30: {  	s3 =	sld [smem:$0x3FA2]  }
0x31: {  	[smem:$0x3FAB] =	sst s10  }
0x32: {  	s10 =	sld [smem:$0x3FA9];
	_ =	sdelay $0x3  }
0x33: {  	p0 =	seq.s32 s10, $0x1;
	s10 =	sld [smem:$0x3FAB];
	_ =	sdelay $0x3  }
0x34: {  	[smem:$0x3FAB] =	sst s10  }
0x35: {  	s10 =	sld [smem:$0x3FAA];
	_ =	sdelay $0x3  }
0x36: {  	p1 =	seq.s32 s10, $0x1;
	s10 =	sld [smem:$0x3FAB];
	_ =	sdelay $0x3  }
0x37: {  	[smem:$0x3FAB] =	sst s10  }
0x38: {  	s10 =	sld [smem:$0x3FAC]  }
0x39: {  	_ = 	snop;
	(pc) =	sbr.ind lr, $3  }
0x3a: {  	_ = 	snop  }
0x3b: {  	_ = 	snop  }
0x3c: {  	p2 =	seq.s32 s10, $0x1;
	s10 =	sld [smem:$0x3FAB]  }
0x3d: {  	_ =	shalt  }
0x3e: {  	_ =	shalt  }
0x3f: {  	_ =	shalt  }
0x40: {  	_ =	shalt  }
0x41: {  	_ =	shalt  }
0x42: {  	_ =	shalt  }
0x43: {  	_ =	shalt  }
0x44: {  	_ =	shalt  }
0x45: {  	_ =	shalt  }
0x46: {  	_ =	shalt  }
0x47: {  	_ =	shalt  }
0x48: {  	_ =	shalt  }
0x49: {  	_ =	shalt  }
0x4a: {  	_ =	shalt  }
0x4b: {  	_ =	shalt  }
0x4c: {  	_ =	shalt  }
0x4d: {  	_ =	shalt  }
0x4e: {  	_ =	shalt  }
0x4f: {  	_ =	shalt  }
0x50: {  	_ =	shalt  }
0x51: {  	_ =	shalt  }
0x52: {  	_ =	shalt  }
0x53: {  	_ =	shalt  }
0x54: {  	_ =	shalt  }
0x55: {  	_ =	shalt  }
0x56: {  	_ =	shalt  }
0x57: {  	_ =	shalt  }
0x58: {  	_ =	shalt  }
0x59: {  	_ =	shalt  }
0x5a: {  	_ =	shalt  }
0x5b: {  	_ =	shalt  }
0x5c: {  	_ =	shalt  }
0x5d: {  	_ =	shalt  }
0x5e: {  	_ =	shalt  }
0x5f: {  	_ =	shalt  }
0x60: {  	_ =	shalt  }
0x61: {  	_ =	shalt  }
0x62: {  	_ =	shalt  }
0x63: {  	_ =	shalt  }
0x64: {  	_ =	shalt  }
0x65: {  	_ =	shalt  }
0x66: {  	_ =	shalt  }
0x67: {  	_ =	shalt  }
0x68: {  	_ =	shalt  }
0x69: {  	_ =	shalt  }
0x6a: {  	_ =	shalt  }
0x6b: {  	_ =	shalt  }
0x6c: {  	_ =	shalt  }
0x6d: {  	_ =	shalt  }
0x6e: {  	_ =	shalt  }
0x6f: {  	_ =	shalt  }
0x70: {  	_ =	shalt  }
0x71: {  	_ =	shalt  }
0x72: {  	_ =	shalt  }
0x73: {  	_ =	shalt  }
0x74: {  	_ =	shalt  }
0x75: {  	_ =	shalt  }
0x76: {  	_ =	shalt  }
0x77: {  	_ =	shalt  }
0x78: {  	_ =	shalt  }
0x79: {  	_ =	shalt  }
0x7a: {  	_ =	shalt  }
0x7b: {  	_ =	shalt  }
0x7c: {  	_ =	shalt  }
0x7d: {  	_ =	shalt  }
0x7e: {  	_ =	shalt  }
0x7f: {  	_ =	shalt  }
0x80: {  	_ =	shalt  }
0x81: {  	_ =	shalt  }
0x82: {  	_ =	shalt  }
0x83: {  	_ =	shalt  }
0x84: {  	_ =	shalt  }
0x85: {  	_ =	shalt  }
0x86: {  	_ =	shalt  }
0x87: {  	_ =	shalt  }
.Lfunc_end0:
.L_simem_size_0:
called_computation_lowered:
.L_overlay_start_0:
0x88: {  	s2 =	sld [smem:$0x3FD9]  }
0x89: {  	s3 =	sld [smem:$0x3FFE];
	_ =	sdelay $0x1  }
0x8a: {  	s1 =	srdreg.scid  }
0x8b: {  	s0 =	sand.u32 $0x1, s1  }
0x8c: {  	s17 =	sshll.u32 s0, $0xA;
	s2 =	sadd.s32 s3, s2  }
0x8d: {  	s2 =	sadd.s32 s2, s17  }
0x8e: {  	[smem:$0x3FB7] =	sst s2  }
0x8f: {  	_ = 	snop  }
0x90: {  	s2 =	sld [smem:$0x3FC7]  }
0x91: {  	s18 =	sld [smem:$0x3FD0];
	(tm) =	ssettm $0x1  }
0x92: {  	s4 =	sld [smem:$0x3FFB];
	_ =	sdelay $0x3  }
0x93: {  	_ =	strace s4  }
0x94: {  	s4 =	sld [smem:$0x3FFC];
	_ =	sdelay $0x3  }
0x95: {  	_ =	strace s4  }
0x96: {  	s4 =	sld [smem:$0x3FFD];
	_ =	sdelay $0x3  }
0x97: {  	_ =	strace s4  }
0x98: {  	_ =	strace $0x8FFFFFFF  }
0x99: {  	s19 =	sld [smem:$0x3FDB];
	_ =	sdelay $0x1  }
0x9a: {  	s5 =	simm.s32 $_scs_section_size  }
0x9b: {  	s6 =	simm.s32 $_size__tile_overlayer_lowered;
	s7 =	simm.s32 $_tile_overlayer_lowered  }
0x9c: {  	s22 =	simm.s32 $0x1BFF;
	s21 =	sshll.u32 s7, $0x1;
	s4 =	sadd.s32 s5, s19  }
0x9d: {  	s8 =	simm.s32 $0x0;
	s20 =	sshll.u32 s6, $0x1;
	s6 =	sadd.s32 s21, s4  }
0x9e: {  	[timem:s8], [sflag:s22] =	dma.local [hbm:s6], s20  }
0x9f: {  	_ =	swait.ge [sflag:s22], s20  }
0xa0: {  	s5 =	ssub.s32 $0x0, s20;
	[sflag:s22] =	ssyncset.done $0x0  }
0xa1: {  	[sflag:s22] =	ssyncadd.s32 s5;
	_ =	sdelay $0x1  }
0xa2: {  	s23 =	simm.s32 $0x1B8B  }
0xa3: {  	_ =	swait.ge [sflag:s23], $0x1  }
0xa4: {  	[sflag:s23] =	ssyncset.done $0x0  }
0xa5: {  	s25 =	simm.s32 $0x1B8E;
	s24 =	sld [smem:$0x3FFE];
	[sflag:s23] =	ssyncadd.s32 $0xFFFFFFFF  }
0xa6: {  	s26 =	simm.s32 $execute0_lowered;
	[smem:$0x3FD2] =	sst s25  }
0xa7: {  	s6 =	sshll.u32 s26, $0x1;
	_ =	strace $0x80000046;
	[dreg:$0x1] =	wrdreg $0xFFFFFFFF  }
0xa8: {  	s28 =	simm.s32 $_size_execute0_lowered;
	s4 =	sadd.s32 s4, s6;
	[dreg:$0x0] =	wrdreg $0x0  }
0xa9: {  	s6 =	sshll.u32 s28, $0x1;
	[dreg:$0x2] =	wrdreg s4  }
0xaa: {  	[dreg:$0x3] =	wrdreg s6  }
0xab: {  	[dreg:$0x4] =	wrdreg $0xC0  }
0xac: {  	_ =	task [dreg:s8], $0x5FFFF  }
0xad: {  	[dreg:$0x1] =	wrdreg $0xFFFFFFFF  }
0xae: {  	[dreg:$0x0] =	wrdreg $0x60  }
0xaf: {  	[dreg:$0x2] =	wrdreg s18  }
0xb0: {  	[dreg:$0x3] =	wrdreg s2  }
0xb1: {  	[dreg:$0x4] =	wrdreg s24  }
0xb2: {  	[dreg:$0x5] =	wrdreg $0x0  }
0xb3: {  	[dreg:$0x6] =	wrdreg $0x138800  }
0xb4: {  	[dreg:$0x7] =	wrdreg $0x9  }
0xb5: {  	_ =	task.clear_ibuf [dreg:s8], $0x8FFFF;
	_ =	strace $0x90000046  }
0xb6: {  	s29 =	simm.s32 $0x9;
	_ =	strace $0x80000048  }
0xb7: {  	_ =	swait.ge [sflag:s29], $0x1  }
0xb8: {  	[sflag:s29] =	ssyncadd.s32 $0xFFFFFFFF  }
0xb9: {  	_ =	strace $0x90000048  }
0xba: {  	_ =	sfence  }
0xbb: {  	s30 =	sld [smem:$0x0];
	_ =	sdelay $0x2  }
0xbc: {  	s31 =	sshll.u32 s1, $0xD;
	s1 =	sshrl.u32 s1, $0x2  }
0xbd: {  	s3 =	sand.u32 $0x4000, s31;
	s1 =	sadd.s32 s1, s30  }
0xbe: {  	s0 =	sor.u32 s3, s0;
	s1 =	sshll.u32 s1, $0x11  }
0xbf: {  	s0 =	sor.u32 s1, s0  }
0xc0: {  	s0 =	sadd.s32 $0x8F2B, s0  }
0xc1: {  	[sflag:s0] =	ssyncadd.remote.s32 $0x1  }
0xc2: {  	_ =	sfence.sel $0xFFFF  }
0xc3: {  	[dreg:$0x0] =	wrdreg $0xFFFFFFFF;
	(pc) =	sbr.abs _section_cstart, $3  }
0xc4: {  	[dreg:$0x1] =	wrdreg $0xFFFFFFFF  }
0xc5: {  	_ =	task.clear_ibuf [dreg:s8], $0x2FFFF;
	_ =	strace $0x9FFFFFFF  }
0xc6: {  	(tm) =	ssettm $0x7FFFFFFF  }
0xc7: {  	_ =	shalt  }
tec
execute0_lowered:
.L_overlay_start_1:
0x0: {  	(tag) =	ssettag $0x1  }
0x1: {  	s0 =	srdreg.scid;
	s23 =	stileid.u32  }
0x2: {  	s5 =	sand.u32 $0x1, s0;
	s0 =	smul.u32 $0x2800, s23  }
0x3: {  	s10 =	sor.u32 $0x10, s23;
	s2 =	smul.u32 $0x28000, s5  }
0x4: {  	s13 =	smul.u32 $0xA000, s10  }
0x5: {  	s11 =	smul.u32 $0x138800, s5  }
0x6: {  	s15 =	sor.u32 $0x30, s23;
	s10 =	smul.u32 $0x2800, s10  }
0x7: {  	s6 =	rddreg [dreg:$0x1];
	s16 =	sor.u32 $0x40, s23;
	s25 =	smul.u32 $0x2800, s15  }
0x8: {  	s3 =	rddreg [dreg:$0x2];
	s17 =	sor.u32 $0x50, s23;
	s28 =	smul.u32 $0x2800, s16  }
0x9: {  	s1 =	simm.s32 $0x0;
	s18 =	sor.u32 $0x60, s23;
	s31 =	smul.u32 $0x2800, s17  }
0xa: {  	s4 =	sshll.u32 s23, $0x1;
	s19 =	sor.u32 $0x70, s23;
	s20 =	smul.u32 $0x2800, s18  }
0xb: {  	[smem:$0x7FF] =	sst s1;
	s8 =	sor.u32 s5, s4;
	s21 =	smul.u32 $0x2800, s19  }
0xc: {  	s7 =	sadd.s32 $0xD800, s3;
	s9 =	ssub.s32 $0x2, s5;
	s4 =	smul.u32 $0x2710, s8  }
0xd: {  	p0 =	sgt.u32 s23, $0xC;
	s22 =	sshrl.u32 s9, $0x1;
	s8 =	smul.u32 $0x27100, s8  }
0xe: {  	s2 =	sadd.s32 s0, s2;
	s12 =	sadd.s32 s0, s11;
	s10 =	sadd.s32 s11, s10  }
0xf: {  	s29 =	sadd.s32 s11, s25;
	s20 =	sadd.s32 s11, s20;
	s25 =	smul.u32 $0xA000, s23  }
0x10: {  	s2 =	sshrl.u32 s2, $0x3;
	s12 =	sshrl.u32 s12, $0x3;
	s10 =	sshrl.u32 s10, $0x3  }
0x11: {  	s8 =	sadd.s32 s6, s8;
	s4 =	sshrl.u32 s4, $0x3;
	s2 =	sadd.s32 s2, s3  }
0x12: {  	s3 =	ssub.s32 s9, s22;
	s9 =	sor.u32 $0x20, s23;
	s22 =	smul.u32 $0x27100, s5  }
0x13: {  	s12 =	sadd.s32 s7, s12;
	[dreg:$0xe] =	wrdreg s8;
	s5 =	smul.u32 $0x2710, s5  }
0x14: {  	s10 =	sadd.s32 s7, s10;
	s14 =	smul.u32 $0x2800, s9;
	[dreg:$0x6] =	wrdreg s12  }
0x15: {  	[dreg:$0x7] =	wrdreg s10;
	s12 =	sadd.s32 s11, s28;
	s28 =	smul.u32 $0xA000, s15  }
0x16: {  	s15 =	smul.u32 $0xA000, s17;
	s12 =	sshrl.u32 s12, $0x3;
	s24 =	sadd.s32 s11, s14  }
0x17: {  	s14 =	sadd.s32 s11, s31;
	s11 =	sadd.s32 s11, s21;
	s21 =	smul.u32 $0x4E200, s23  }
0x18: {  	s2 =	sadd.s32 $0x3800, s2;
	s12 =	sadd.s32 s7, s12;
	s31 =	smul.u32 $0xA000, s16  }
0x19: {  	s8 =	sshrl.u32 s15, $0x2;
	s15 =	simm.s32 $0x16200;
	s26 =	sshrl.u32 s24, $0x3  }
0x1a: {  	[dreg:$0xa] =	wrdreg s12;
	s14 =	sshrl.u32 s14, $0x3;
	s11 =	sshrl.u32 s11, $0x3  }
0x1b: {  	s12 =	rddreg [dreg:$0x3];
	s24 =	smul.u32 $0x4E20, s23;
	s23 =	simm.s32 $0x0  }
0x1c: {  	s10 =	sadd.s32 s7, s26;
	s6 =	sadd.s32 s21, s6;
	s26 =	smul.u32 $0xA000, s9  }
0x1d: {  	s21 =	smul.u32 $0xA000, s18;
	s9 =	simm.s32 $0x3;
	[dreg:$0x8] =	wrdreg s10  }
0x1e: {  	s10 =	sshrl.u32 s29, $0x3;
	s6 =	sadd.s32 s22, s6;
	s5 =	sadd.s32 s5, s24  }
0x1f: {  	s29 =	sshrl.u32 s13, $0x2;
	s22 =	smul.u32 $0xA000, s19;
	s10 =	sadd.s32 s7, s10  }
0x20: {  	s16 =	sadd.s32 s29, s12;
	s13 =	sshrl.u32 s26, $0x2;
	s24 =	sshrl.u32 s21, $0x2  }
0x21: {  	s26 =	sadd.s32 $0x50, s5;
	[dreg:$0x9] =	wrdreg s10;
	s10 =	sadd.s32 s7, s14  }
0x22: {  	s14 =	rddreg [dreg:$0x4];
	s17 =	sadd.s32 s13, s12;
	s21 =	sadd.s32 s24, s12  }
0x23: {  	s29 =	sshrl.u32 s26, $0x3;
	s26 =	sadd.s32 $0xA0, s5;
	s13 =	simm.s32 $0x16280  }
0x24: {  	s5 =	simm.s32 $0x18A80;
	[dreg:$0xb] =	wrdreg s10;
	s10 =	sshrl.u32 s20, $0x3  }
0x25: {  	s20 =	sshrl.u32 s28, $0x2;
	s24 =	sadd.s32 s0, s14;
	s0 =	sadd.s32 s0, s12  }
0x26: {  	s28 =	smax.u32 s3, $0x1;
	s3 =	simm.s32 $0x16080;
	s10 =	sadd.s32 s7, s10  }
0x27: {  	s7 =	sadd.s32 s7, s11;
	s11 =	rddreg [dreg:$0x0];
	s18 =	sadd.s32 s20, s12  }
0x28: {  	s20 =	sadd.s32 s8, s12;
	s0 =	sshrl.u32 s0, $0x3;
	[dreg:$0xc] =	wrdreg s10  }
0x29: {  	s8 =	simm.s32 $0x16180;
	[dreg:$0xd] =	wrdreg s7;
	s4 =	sadd.s32 s11, s4  }
0x2a: {  	s7 =	sshrl.u32 s25, $0x2;
	_ =	strace $0x80000047;
	[dreg:$0x10] =	wrdreg s4  }
0x2b: {  	s10 =	sshrl.u32 s31, $0x2;
	s25 =	sshrl.u32 s22, $0x2;
	[dreg:$0x11] =	wrdreg s2  }
0x2c: {  	v0 =	vlaneseq.u32;
	s31 =	sadd.s32 $0xA00, s6;
	s30 =	sadd.s32 s29, s11;
	[dreg:$0x12] =	wrdreg s28  }
0x2d: {  	v0 =	vmul.u32 $0x80, v0;
	s6 =	simm.s32 $0x1;
	s7 =	sadd.s32 s7, s12;
	[dreg:$0x13] =	wrdreg s31  }
0x2e: {  	s19 =	sadd.s32 s10, s12;
	s22 =	sadd.s32 s25, s12;
	[dreg:$0x14] =	wrdreg s0  }
0x2f: {  	v1 =	vimm.f32 $0.0e+00;
	v2 =	vimm.f32 $1.000000000e+00;
	v3 =	vor.u32 $0x800, v0;
	s0 =	simm.s32 $0x4;
	s2 =	simm.s32 $0x1B280;
	s4 =	simm.s32 $0x16100  }
0x30: {  	v4 =	vor.u32 $0x1000, v0;
	v5 =	vor.u32 $0x1800, v0;
	v6 =	vor.u32 $0x2000, v0;
	s10 =	simm.s32 $0x2;
	[dreg:$0xf] =	wrdreg s7;
	s7 =	simm.s32 $0x50  }
.LBB2_1:
0x31: {  	s25 =	simm.s32 $0x0;
	s28 =	simm.s32 $0x200  }
.LBB2_2:
0x32: {  	p1 =	sne.s32 s28, $0x9E00;
	[tilespmem:s25+$0x1B2F0] =	vst v1  }
0x33: {  	[tilespmem:s25+$0x16280] =	vst v1  }
0x34: {  	[tilespmem:s25+$0x1B280] =	vst v1  }
0x35: {  	[tilespmem:s25+$0x16290] =	vst v1  }
0x36: {  	[tilespmem:s25+$0x1B290] =	vst v1  }
0x37: {  	[tilespmem:s25+$0x162A0] =	vst v1  }
0x38: {  	[tilespmem:s25+$0x1B2A0] =	vst v1  }
0x39: {  	[tilespmem:s25+$0x162B0] =	vst v1  }
0x3a: {  	[tilespmem:s25+$0x1B2B0] =	vst v1  }
0x3b: {  	[tilespmem:s25+$0x162C0] =	vst v1  }
0x3c: {  	[tilespmem:s25+$0x1B2C0] =	vst v1  }
.Ltmp0:
0x3d: {  	[tilespmem:s25+$0x162D0] =	vst v1;
	(pc) =	sbr.rel @p1 .LBB2_2-.Ltmp0, $4  }
0x3e: {  	[tilespmem:s25+$0x1B2D0] =	vst v1  }
0x3f: {  	[tilespmem:s25+$0x162E0] =	vst v1  }
0x40: {  	[tilespmem:s25+$0x1B2E0] =	vst v1  }
0x41: {  	[tilespmem:s25+$0x162F0] =	vst v1;
	s25 =	sshra.s32 s28, $0x2;
	s28 =	sadd.s32 $0x200, s28  }
0x42: {  	[tilespmem:s25+$0x1B2F0] =	vst v1  }
0x43: {  	[tilespmem:s25+$0x16280] =	vst v1  }
0x44: {  	[tilespmem:s25+$0x1B280] =	vst v1  }
0x45: {  	[tilespmem:s25+$0x16290] =	vst v1  }
0x46: {  	[tilespmem:s25+$0x1B290] =	vst v1  }
0x47: {  	[tilespmem:s25+$0x162A0] =	vst v1  }
0x48: {  	[tilespmem:s25+$0x1B2A0] =	vst v1  }
0x49: {  	[tilespmem:s25+$0x162B0] =	vst v1  }
0x4a: {  	[tilespmem:s25+$0x1B2B0] =	vst v1  }
0x4b: {  	[tilespmem:s25+$0x162C0] =	vst v1  }
0x4c: {  	[tilespmem:s25+$0x1B2C0] =	vst v1  }
0x4d: {  	[tilespmem:s25+$0x162D0] =	vst v1  }
0x4e: {  	[tilespmem:s25+$0x1B2D0] =	vst v1  }
0x4f: {  	[tilespmem:s25+$0x162E0] =	vst v1  }
0x50: {  	[tilespmem:s25+$0x1B2E0] =	vst v1  }
0x51: {  	[tilespmem:s25+$0x162F0] =	vst v1;
	s31 =	rddreg [dreg:$0xf]  }
0x52: {  	[spmem:s31] =	stream.linear.scatter [tilespmem:s13], [sflag:$0x4], $0x2800, $0x38;
	[tilespmem:$0x1DA80] =	vst v63  }
0x53: {  	_ =	swait.ge [sflag:s0], $0x2800  }
0x54: {  	[sflag:s0] =	ssyncset.done $0x0  }
0x55: {  	[sflag:s0] =	ssyncadd.s32 $0xFFFFD800  }
0x56: {  	[spmem:s16] =	stream.linear.scatter [tilespmem:s13], [sflag:$0x4], $0x2800, $0x38;
	[tilespmem:$0x1DA80] =	vst v63  }
0x57: {  	_ =	swait.ge [sflag:s0], $0x2800  }
0x58: {  	[sflag:s0] =	ssyncset.done $0x0  }
0x59: {  	[sflag:s0] =	ssyncadd.s32 $0xFFFFD800  }
0x5a: {  	[spmem:s17] =	stream.linear.scatter [tilespmem:s13], [sflag:$0x4], $0x2800, $0x38;
	[tilespmem:$0x1DA80] =	vst v63  }
0x5b: {  	_ =	swait.ge [sflag:s0], $0x2800  }
0x5c: {  	[sflag:s0] =	ssyncset.done $0x0  }
0x5d: {  	[sflag:s0] =	ssyncadd.s32 $0xFFFFD800  }
0x5e: {  	[spmem:s18] =	stream.linear.scatter [tilespmem:s13], [sflag:$0x4], $0x2800, $0x38;
	[tilespmem:$0x1DA80] =	vst v63  }
0x5f: {  	_ =	swait.ge [sflag:s0], $0x2800  }
0x60: {  	[sflag:s0] =	ssyncset.done $0x0  }
0x61: {  	[sflag:s0] =	ssyncadd.s32 $0xFFFFD800  }
0x62: {  	[spmem:s19] =	stream.linear.scatter [tilespmem:s13], [sflag:$0x4], $0x2800, $0x38;
	[tilespmem:$0x1DA80] =	vst v63  }
0x63: {  	_ =	swait.ge [sflag:s0], $0x2800  }
0x64: {  	[sflag:s0] =	ssyncset.done $0x0  }
0x65: {  	[sflag:s0] =	ssyncadd.s32 $0xFFFFD800  }
0x66: {  	[spmem:s20] =	stream.linear.scatter [tilespmem:s13], [sflag:$0x4], $0x2800, $0x38;
	[tilespmem:$0x1DA80] =	vst v63  }
0x67: {  	_ =	swait.ge [sflag:s0], $0x2800  }
0x68: {  	[sflag:s0] =	ssyncset.done $0x0  }
0x69: {  	[sflag:s0] =	ssyncadd.s32 $0xFFFFD800  }
0x6a: {  	[spmem:s21] =	stream.linear.scatter [tilespmem:s13], [sflag:$0x4], $0x2800, $0x38;
	[tilespmem:$0x1DA80] =	vst v63  }
0x6b: {  	_ =	swait.ge [sflag:s0], $0x2800  }
0x6c: {  	[sflag:s0] =	ssyncset.done $0x0  }
0x6d: {  	s25 =	simm.s32 @!p0 $0x16280;
	[sflag:s0] =	ssyncadd.s32 $0xFFFFD800  }
0x6e: {  	[spmem:s22] =	stream.linear.scatter @!p0 [tilespmem:s25], [sflag:$0x4], $0x2800, $0x38;
	[tilespmem:$0x1DA80] =	vst v63  }
0x6f: {  	s25 =	simm.s32 @!p0 $0x4  }
0x70: {  	_ =	swait.ge @!p0 [sflag:s25], $0x2800  }
0x71: {  	[sflag:s25] =	ssyncset.done @!p0 $0x0  }
0x72: {  	[sflag:s25] =	ssyncadd.s32 @!p0 $0xFFFFD800  }
0x73: {  	[spmem:s24] =	stream.linear.scatter [tilespmem:s2], [sflag:$0x4], $0x2800, $0x38;
	[tilespmem:$0x1DA80] =	vst v63  }
0x74: {  	_ =	swait.ge [sflag:s0], $0x2800  }
0x75: {  	[sflag:s0] =	ssyncset.done $0x0  }
0x76: {  	[sflag:s0] =	ssyncadd.s32 $0xFFFFD800  }
0x77: {  	[bflag:$0x0] =	sbarrier.arrive $0xFFFF  }
0x78: {  	s25 =	simm.s32 $0x0;
	s28 =	rddreg [dreg:$0x10]  }
0x79: {  	[tilespmem:s3], [sflag:$0x1] =	stream.linear.gather [hbm4b:s28+s25], $0x50, $0x38;
	[tilespmem:$0x1DA80] =	vst v63  }
0x7a: {  	s28 =	rddreg [dreg:$0xe]  }
0x7b: {  	[tilespmem:s13], [sflag:$0x1] =	stream.linear.gather [hbm4b:s28+s25], $0x2800, $0x38;
	[tilespmem:$0x1DA80] =	vst v63  }
0x7c: {  	s29 =	smov.u32 s26;
	s28 =	rddreg [dreg:$0x13]  }
.LBB2_4:
0x7d: {  	s31 =	sadd.s32 s25, s30  }
0x7e: {  	[tilespmem:s4], [sflag:$0x2] =	stream.linear.gather [hbm4b:s31+s1], $0x50, $0x38;
	[tilespmem:$0x1DA80] =	vst v63  }
0x7f: {  	s31 =	sadd.s32 $0xFFFFFB00, s28  }
0x80: {  	[tilespmem:s5], [sflag:$0x2] =	stream.linear.gather [hbm4b:s31+s1], $0x2800, $0x38;
	[tilespmem:$0x1DA80] =	vst v63  }
0x81: {  	_ =	swait.ge [sflag:s6], $0x50  }
0x82: {  	[sflag:s6] =	ssyncset.done $0x0  }
0x83: {  	[sflag:s6] =	ssyncadd.s32 $0xFFFFFFB0  }
0x84: {  	_ =	swait.ge [sflag:s6], $0x2800  }
0x85: {  	[sflag:s6] =	ssyncset.done $0x0  }
0x86: {  	[sflag:s6] =	ssyncadd.s32 $0xFFFFD800  }
0x87: {  	v7 =	vld [tilespmem:$0x16080];
	_ =	sdelay $0x4  }
0x88: {  	v8 =	vshll.u32 v7, $0x4  }
0x89: {  	v8 =	vand.u32 $0x70, v8  }
0x8a: {  	v8 =	vor.u32 v0, v8;
	_ =	sdelay $0x2  }
0x8b: {  	v7 =	vshrl.u32 v7, $0x3  }
0x8c: {  	[tilespmem:$0x16180] =	vst v7  }
0x8d: {  	[tilespmem:v8+s2+$0x0] =	vst.idx.msk $0xffff, v2  }
0x8e: {  	v7 =	vld [tilespmem:$0x16090];
	_ =	sdelay $0x4  }
0x8f: {  	v8 =	vshll.u32 v7, $0x4  }
0x90: {  	v8 =	vand.u32 $0x70, v8  }
0x91: {  	v8 =	vor.u32 v3, v8;
	_ =	sdelay $0x2  }
0x92: {  	v7 =	vshrl.u32 v7, $0x3  }
0x93: {  	[tilespmem:$0x16190] =	vst v7  }
0x94: {  	[tilespmem:v8+s2+$0x0] =	vst.idx.msk $0xffff, v2  }
0x95: {  	v7 =	vld [tilespmem:$0x160A0];
	_ =	sdelay $0x4  }
0x96: {  	v8 =	vshll.u32 v7, $0x4  }
0x97: {  	v8 =	vand.u32 $0x70, v8  }
0x98: {  	v8 =	vor.u32 v4, v8;
	_ =	sdelay $0x2  }
0x99: {  	v7 =	vshrl.u32 v7, $0x3  }
0x9a: {  	[tilespmem:$0x161A0] =	vst v7  }
0x9b: {  	[tilespmem:v8+s2+$0x0] =	vst.idx.msk $0xffff, v2  }
0x9c: {  	v7 =	vld [tilespmem:$0x160B0];
	_ =	sdelay $0x4  }
0x9d: {  	v8 =	vshll.u32 v7, $0x4  }
0x9e: {  	v8 =	vand.u32 $0x70, v8  }
0x9f: {  	v8 =	vor.u32 v5, v8;
	_ =	sdelay $0x2  }
0xa0: {  	v7 =	vshrl.u32 v7, $0x3  }
0xa1: {  	[tilespmem:$0x161B0] =	vst v7  }
0xa2: {  	[tilespmem:v8+s2+$0x0] =	vst.idx.msk $0xffff, v2  }
0xa3: {  	v7 =	vld [tilespmem:$0x160C0];
	_ =	sdelay $0x4  }
0xa4: {  	v8 =	vshll.u32 v7, $0x4  }
0xa5: {  	v8 =	vand.u32 $0x70, v8  }
0xa6: {  	v8 =	vor.u32 v6, v8;
	_ =	sdelay $0x2  }
0xa7: {  	v7 =	vshrl.u32 v7, $0x3  }
0xa8: {  	[tilespmem:$0x161C0] =	vst v7  }
0xa9: {  	[tilespmem:v8+s2+$0x0] =	vst.idx.msk $0xffff, v2  }
0xaa: {  	[spmem:s12] =	stream.indirect.scatter.add.f32 [tilespmem:s13], [sflag:$0x3], $0x80, s3, s7, $0xb8;
	[tilespmem:$0x1DA80] =	vst v63  }
0xab: {  	_ = 	snop  }
0xac: {  	[spmem:s14] =	stream.indirect.scatter.add.f32 [tilespmem:s2], [sflag:$0x4], $0x80, s8, s7, $0xb8;
	[tilespmem:$0x1DA80] =	vst v63  }
0xad: {  	_ =	swait.ge [sflag:s0], $0x2800  }
0xae: {  	[sflag:s0] =	ssyncset.done $0x0  }
0xaf: {  	[sflag:s0] =	ssyncadd.s32 $0xFFFFD800  }
0xb0: {  	_ =	swait.ge [sflag:s9], $0x2800  }
0xb1: {  	[sflag:s9] =	ssyncset.done $0x0  }
0xb2: {  	[sflag:s9] =	ssyncadd.s32 $0xFFFFD800  }
0xb3: {  	v7 =	vld [tilespmem:$0x16080];
	_ =	sdelay $0x4  }
0xb4: {  	v7 =	vshll.u32 v7, $0x4  }
0xb5: {  	v7 =	vand.u32 $0x70, v7  }
0xb6: {  	v7 =	vor.u32 v0, v7;
	_ =	sdelay $0x4  }
0xb7: {  	[tilespmem:v7+s2+$0x0] =	vst.idx.msk $0xffff, v1  }
0xb8: {  	v7 =	vld [tilespmem:$0x16090];
	_ =	sdelay $0x4  }
0xb9: {  	v7 =	vshll.u32 v7, $0x4  }
0xba: {  	v7 =	vand.u32 $0x70, v7  }
0xbb: {  	v7 =	vor.u32 v3, v7;
	_ =	sdelay $0x4  }
0xbc: {  	[tilespmem:v7+s2+$0x0] =	vst.idx.msk $0xffff, v1  }
0xbd: {  	v7 =	vld [tilespmem:$0x160A0];
	_ =	sdelay $0x4  }
0xbe: {  	v7 =	vshll.u32 v7, $0x4  }
0xbf: {  	v7 =	vand.u32 $0x70, v7  }
0xc0: {  	v7 =	vor.u32 v4, v7;
	_ =	sdelay $0x4  }
0xc1: {  	[tilespmem:v7+s2+$0x0] =	vst.idx.msk $0xffff, v1  }
0xc2: {  	v7 =	vld [tilespmem:$0x160B0];
	_ =	sdelay $0x4  }
0xc3: {  	v7 =	vshll.u32 v7, $0x4  }
0xc4: {  	v7 =	vand.u32 $0x70, v7  }
0xc5: {  	v7 =	vor.u32 v5, v7;
	_ =	sdelay $0x4  }
0xc6: {  	[tilespmem:v7+s2+$0x0] =	vst.idx.msk $0xffff, v1  }
0xc7: {  	v7 =	vld [tilespmem:$0x160C0];
	_ =	sdelay $0x4  }
0xc8: {  	v7 =	vshll.u32 v7, $0x4  }
0xc9: {  	v7 =	vand.u32 $0x70, v7  }
0xca: {  	v7 =	vor.u32 v6, v7;
	_ =	sdelay $0x3  }
0xcb: {  	s31 =	sshrl.u32 s29, $0x3  }
0xcc: {  	s31 =	sadd.s32 s11, s31;
	[tilespmem:v7+s2+$0x0] =	vst.idx.msk $0xffff, v1  }
0xcd: {  	[tilespmem:s3], [sflag:$0x1] =	stream.linear.gather [hbm4b:s31+s1], $0x50, $0x38;
	[tilespmem:$0x1DA80] =	vst v63  }
0xce: {  	_ = 	snop  }
0xcf: {  	[tilespmem:s13], [sflag:$0x1] =	stream.linear.gather [hbm4b:s28+s1], $0x2800, $0x38;
	[tilespmem:$0x1DA80] =	vst v63  }
0xd0: {  	_ =	swait.ge [sflag:s10], $0x50  }
0xd1: {  	[sflag:s10] =	ssyncset.done $0x0  }
0xd2: {  	[sflag:s10] =	ssyncadd.s32 $0xFFFFFFB0  }
0xd3: {  	_ =	swait.ge [sflag:s10], $0x2800  }
0xd4: {  	[sflag:s10] =	ssyncset.done $0x0  }
0xd5: {  	[sflag:s10] =	ssyncadd.s32 $0xFFFFD800  }
0xd6: {  	v7 =	vld [tilespmem:$0x16100];
	_ =	sdelay $0x4  }
0xd7: {  	v8 =	vshll.u32 v7, $0x4  }
0xd8: {  	v8 =	vand.u32 $0x70, v8  }
0xd9: {  	v8 =	vor.u32 v0, v8;
	_ =	sdelay $0x2  }
0xda: {  	v7 =	vshrl.u32 v7, $0x3  }
0xdb: {  	[tilespmem:$0x16200] =	vst v7  }
0xdc: {  	[tilespmem:v8+s2+$0x0] =	vst.idx.msk $0xffff, v2  }
0xdd: {  	v7 =	vld [tilespmem:$0x16110];
	_ =	sdelay $0x4  }
0xde: {  	v8 =	vshll.u32 v7, $0x4  }
0xdf: {  	v8 =	vand.u32 $0x70, v8  }
0xe0: {  	v8 =	vor.u32 v3, v8;
	_ =	sdelay $0x2  }
0xe1: {  	v7 =	vshrl.u32 v7, $0x3  }
0xe2: {  	[tilespmem:$0x16210] =	vst v7  }
0xe3: {  	[tilespmem:v8+s2+$0x0] =	vst.idx.msk $0xffff, v2  }
0xe4: {  	v7 =	vld [tilespmem:$0x16120];
	_ =	sdelay $0x4  }
0xe5: {  	v8 =	vshll.u32 v7, $0x4  }
0xe6: {  	v8 =	vand.u32 $0x70, v8  }
0xe7: {  	v8 =	vor.u32 v4, v8;
	_ =	sdelay $0x2  }
0xe8: {  	v7 =	vshrl.u32 v7, $0x3  }
0xe9: {  	[tilespmem:$0x16220] =	vst v7  }
0xea: {  	[tilespmem:v8+s2+$0x0] =	vst.idx.msk $0xffff, v2  }
0xeb: {  	v7 =	vld [tilespmem:$0x16130];
	_ =	sdelay $0x4  }
0xec: {  	v8 =	vshll.u32 v7, $0x4  }
0xed: {  	v8 =	vand.u32 $0x70, v8  }
0xee: {  	v8 =	vor.u32 v5, v8;
	_ =	sdelay $0x2  }
0xef: {  	v7 =	vshrl.u32 v7, $0x3  }
0xf0: {  	[tilespmem:$0x16230] =	vst v7  }
0xf1: {  	[tilespmem:v8+s2+$0x0] =	vst.idx.msk $0xffff, v2  }
0xf2: {  	v7 =	vld [tilespmem:$0x16140];
	_ =	sdelay $0x4  }
0xf3: {  	v8 =	vshll.u32 v7, $0x4  }
0xf4: {  	v8 =	vand.u32 $0x70, v8  }
0xf5: {  	v8 =	vor.u32 v6, v8;
	_ =	sdelay $0x2  }
0xf6: {  	v7 =	vshrl.u32 v7, $0x3  }
0xf7: {  	[tilespmem:$0x16240] =	vst v7  }
0xf8: {  	[tilespmem:v8+s2+$0x0] =	vst.idx.msk $0xffff, v2  }
0xf9: {  	[spmem:s12] =	stream.indirect.scatter.add.f32 [tilespmem:s5], [sflag:$0x3], $0x80, s4, s7, $0xb8;
	[tilespmem:$0x1DA80] =	vst v63  }
0xfa: {  	_ = 	snop  }
0xfb: {  	[spmem:s14] =	stream.indirect.scatter.add.f32 [tilespmem:s2], [sflag:$0x4], $0x80, s15, s7, $0xb8;
	[tilespmem:$0x1DA80] =	vst v63  }
0xfc: {  	_ =	swait.ge [sflag:s0], $0x2800  }
0xfd: {  	[sflag:s0] =	ssyncset.done $0x0  }
0xfe: {  	[sflag:s0] =	ssyncadd.s32 $0xFFFFD800  }
0xff: {  	_ =	swait.ge [sflag:s9], $0x2800  }
0x100: {  	[sflag:s9] =	ssyncset.done $0x0  }
0x101: {  	[sflag:s9] =	ssyncadd.s32 $0xFFFFD800  }
0x102: {  	v7 =	vld [tilespmem:$0x16100];
	_ =	sdelay $0x4  }
0x103: {  	v7 =	vshll.u32 v7, $0x4  }
0x104: {  	v7 =	vand.u32 $0x70, v7  }
0x105: {  	v7 =	vor.u32 v0, v7;
	_ =	sdelay $0x4  }
0x106: {  	[tilespmem:v7+s2+$0x0] =	vst.idx.msk $0xffff, v1  }
0x107: {  	v7 =	vld [tilespmem:$0x16110];
	_ =	sdelay $0x4  }
0x108: {  	v7 =	vshll.u32 v7, $0x4  }
0x109: {  	v7 =	vand.u32 $0x70, v7  }
0x10a: {  	v7 =	vor.u32 v3, v7;
	_ =	sdelay $0x4  }
0x10b: {  	[tilespmem:v7+s2+$0x0] =	vst.idx.msk $0xffff, v1  }
0x10c: {  	v7 =	vld [tilespmem:$0x16120];
	_ =	sdelay $0x4  }
0x10d: {  	v7 =	vshll.u32 v7, $0x4  }
0x10e: {  	v7 =	vand.u32 $0x70, v7  }
0x10f: {  	v7 =	vor.u32 v4, v7;
	_ =	sdelay $0x4  }
0x110: {  	[tilespmem:v7+s2+$0x0] =	vst.idx.msk $0xffff, v1  }
0x111: {  	v7 =	vld [tilespmem:$0x16130];
	_ =	sdelay $0x4  }
0x112: {  	v7 =	vshll.u32 v7, $0x4  }
0x113: {  	v7 =	vand.u32 $0x70, v7  }
0x114: {  	v7 =	vor.u32 v5, v7;
	_ =	sdelay $0x4  }
0x115: {  	[tilespmem:v7+s2+$0x0] =	vst.idx.msk $0xffff, v1  }
0x116: {  	v7 =	vld [tilespmem:$0x16140];
	_ =	sdelay $0x4  }
0x117: {  	v7 =	vshll.u32 v7, $0x4  }
0x118: {  	v7 =	vand.u32 $0x70, v7  }
0x119: {  	p1 =	sne.s32 s25, $0x4C4;
	v7 =	vor.u32 v6, v7  }
.Ltmp1:
0x11a: {  	_ = 	snop;
	(pc) =	sbr.rel @p1 .LBB2_4-.Ltmp1, $2  }
0x11b: {  	_ =	sdelay $0x2  }
0x11c: {  	s25 =	sadd.s32 $0x14, s25;
	s29 =	sadd.s32 $0xA0, s29;
	s28 =	sadd.s32 $0xA00, s28;
	[tilespmem:v7+s2+$0x0] =	vst.idx.msk $0xffff, v1  }
0x11d: {  	_ =	swait.ge [sflag:s6], $0x50  }
0x11e: {  	[sflag:s6] =	ssyncset.done $0x0  }
0x11f: {  	[sflag:s6] =	ssyncadd.s32 $0xFFFFFFB0  }
0x120: {  	_ =	swait.ge [sflag:s6], $0x2800  }
0x121: {  	[sflag:s6] =	ssyncset.done $0x0  }
0x122: {  	[sflag:s6] =	ssyncadd.s32 $0xFFFFD800  }
0x123: {  	v7 =	vld [tilespmem:$0x16080];
	_ =	sdelay $0x4  }
0x124: {  	v8 =	vshll.u32 v7, $0x4  }
0x125: {  	v8 =	vand.u32 $0x70, v8  }
0x126: {  	v8 =	vor.u32 v0, v8;
	_ =	sdelay $0x2  }
0x127: {  	v7 =	vshrl.u32 v7, $0x3  }
0x128: {  	[tilespmem:$0x16180] =	vst v7  }
0x129: {  	[tilespmem:v8+s2+$0x0] =	vst.idx.msk $0xffff, v2  }
0x12a: {  	v7 =	vld [tilespmem:$0x16090];
	_ =	sdelay $0x4  }
0x12b: {  	v8 =	vshll.u32 v7, $0x4  }
0x12c: {  	v8 =	vand.u32 $0x70, v8  }
0x12d: {  	v8 =	vor.u32 v3, v8;
	_ =	sdelay $0x2  }
0x12e: {  	v7 =	vshrl.u32 v7, $0x3  }
0x12f: {  	[tilespmem:$0x16190] =	vst v7  }
0x130: {  	[tilespmem:v8+s2+$0x0] =	vst.idx.msk $0xffff, v2  }
0x131: {  	v7 =	vld [tilespmem:$0x160A0];
	_ =	sdelay $0x4  }
0x132: {  	v8 =	vshll.u32 v7, $0x4  }
0x133: {  	v8 =	vand.u32 $0x70, v8  }
0x134: {  	v8 =	vor.u32 v4, v8;
	_ =	sdelay $0x2  }
0x135: {  	v7 =	vshrl.u32 v7, $0x3  }
0x136: {  	[tilespmem:$0x161A0] =	vst v7  }
0x137: {  	[tilespmem:v8+s2+$0x0] =	vst.idx.msk $0xffff, v2  }
0x138: {  	v7 =	vld [tilespmem:$0x160B0];
	_ =	sdelay $0x4  }
0x139: {  	v8 =	vshll.u32 v7, $0x4  }
0x13a: {  	v8 =	vand.u32 $0x70, v8  }
0x13b: {  	v8 =	vor.u32 v5, v8;
	_ =	sdelay $0x2  }
0x13c: {  	v7 =	vshrl.u32 v7, $0x3  }
0x13d: {  	[tilespmem:$0x161B0] =	vst v7  }
0x13e: {  	[tilespmem:v8+s2+$0x0] =	vst.idx.msk $0xffff, v2  }
0x13f: {  	v7 =	vld [tilespmem:$0x160C0];
	_ =	sdelay $0x4  }
0x140: {  	v8 =	vshll.u32 v7, $0x4  }
0x141: {  	v8 =	vand.u32 $0x70, v8  }
0x142: {  	v8 =	vor.u32 v6, v8;
	_ =	sdelay $0x2  }
0x143: {  	v7 =	vshrl.u32 v7, $0x3  }
0x144: {  	[tilespmem:$0x161C0] =	vst v7  }
0x145: {  	[tilespmem:v8+s2+$0x0] =	vst.idx.msk $0xffff, v2  }
0x146: {  	[spmem:s12] =	stream.indirect.scatter.add.f32 [tilespmem:s13], [sflag:$0x3], $0x80, s3, s7, $0xb8;
	[tilespmem:$0x1DA80] =	vst v63  }
0x147: {  	_ = 	snop  }
0x148: {  	[spmem:s14] =	stream.indirect.scatter.add.f32 [tilespmem:s2], [sflag:$0x4], $0x80, s8, s7, $0xb8;
	[tilespmem:$0x1DA80] =	vst v63  }
0x149: {  	_ =	swait.ge [sflag:s0], $0x2800  }
0x14a: {  	[sflag:s0] =	ssyncset.done $0x0  }
0x14b: {  	[sflag:s0] =	ssyncadd.s32 $0xFFFFD800  }
0x14c: {  	_ =	swait.ge [sflag:s9], $0x2800  }
0x14d: {  	[sflag:s9] =	ssyncset.done $0x0  }
0x14e: {  	[sflag:s9] =	ssyncadd.s32 $0xFFFFD800  }
0x14f: {  	v7 =	vld [tilespmem:$0x16080];
	_ =	sdelay $0x4  }
0x150: {  	v7 =	vshll.u32 v7, $0x4  }
0x151: {  	v7 =	vand.u32 $0x70, v7  }
0x152: {  	v7 =	vor.u32 v0, v7;
	_ =	sdelay $0x4  }
0x153: {  	[tilespmem:v7+s2+$0x0] =	vst.idx.msk $0xffff, v1  }
0x154: {  	v7 =	vld [tilespmem:$0x16090];
	_ =	sdelay $0x4  }
0x155: {  	v7 =	vshll.u32 v7, $0x4  }
0x156: {  	v7 =	vand.u32 $0x70, v7  }
0x157: {  	v7 =	vor.u32 v3, v7;
	_ =	sdelay $0x4  }
0x158: {  	[tilespmem:v7+s2+$0x0] =	vst.idx.msk $0xffff, v1  }
0x159: {  	v7 =	vld [tilespmem:$0x160A0];
	_ =	sdelay $0x4  }
0x15a: {  	v7 =	vshll.u32 v7, $0x4  }
0x15b: {  	v7 =	vand.u32 $0x70, v7  }
0x15c: {  	v7 =	vor.u32 v4, v7;
	_ =	sdelay $0x4  }
0x15d: {  	[tilespmem:v7+s2+$0x0] =	vst.idx.msk $0xffff, v1  }
0x15e: {  	v7 =	vld [tilespmem:$0x160B0];
	_ =	sdelay $0x4  }
0x15f: {  	v7 =	vshll.u32 v7, $0x4  }
0x160: {  	v7 =	vand.u32 $0x70, v7  }
0x161: {  	v7 =	vor.u32 v5, v7;
	_ =	sdelay $0x4  }
0x162: {  	[tilespmem:v7+s2+$0x0] =	vst.idx.msk $0xffff, v1  }
0x163: {  	v7 =	vld [tilespmem:$0x160C0];
	_ =	sdelay $0x4  }
0x164: {  	v7 =	vshll.u32 v7, $0x4  }
0x165: {  	v7 =	vand.u32 $0x70, v7  }
0x166: {  	v7 =	vor.u32 v6, v7;
	_ =	sdelay $0x4  }
0x167: {  	[tilespmem:v7+s2+$0x0] =	vst.idx.msk $0xffff, v1  }
0x168: {  	s25 =	stileid.u32;
	[bflag:$0x0] =	sbarrier.arrive $0xFFFF  }
0x169: {  	s25 =	sshll.u32 s25, $0x6;
	s28 =	rddreg [dreg:$0x6]  }
0x16a: {  	s25 =	sor.u32 $0x1C04, s25;
	s29 =	rddreg [dreg:$0x14]  }
0x16b: {  	[hbm:s28], [sflag:s25] =	dma.local [spmem:s29], $0x500  }
0x16c: {  	_ =	swait.ge [sflag:s0], $0x500  }
0x16d: {  	[sflag:s0] =	ssyncset.done $0x0  }
0x16e: {  	s28 =	sshrl.u32 s16, $0x3;
	s31 =	rddreg [dreg:$0x7];
	[sflag:s0] =	ssyncadd.s32 $0xFFFFFB00  }
0x16f: {  	[hbm:s31], [sflag:s25] =	dma.local [spmem:s28], $0x500  }
0x170: {  	_ =	swait.ge [sflag:s0], $0x500  }
0x171: {  	[sflag:s0] =	ssyncset.done $0x0  }
0x172: {  	s28 =	sshrl.u32 s17, $0x3;
	s31 =	rddreg [dreg:$0x8];
	[sflag:s0] =	ssyncadd.s32 $0xFFFFFB00  }
0x173: {  	[hbm:s31], [sflag:s25] =	dma.local [spmem:s28], $0x500  }
0x174: {  	_ =	swait.ge [sflag:s0], $0x500  }
0x175: {  	[sflag:s0] =	ssyncset.done $0x0  }
0x176: {  	s28 =	sshrl.u32 s18, $0x3;
	s31 =	rddreg [dreg:$0x9];
	[sflag:s0] =	ssyncadd.s32 $0xFFFFFB00  }
0x177: {  	[hbm:s31], [sflag:s25] =	dma.local [spmem:s28], $0x500  }
0x178: {  	_ =	swait.ge [sflag:s0], $0x500  }
0x179: {  	[sflag:s0] =	ssyncset.done $0x0  }
0x17a: {  	s28 =	sshrl.u32 s19, $0x3;
	s31 =	rddreg [dreg:$0xa];
	[sflag:s0] =	ssyncadd.s32 $0xFFFFFB00  }
0x17b: {  	[hbm:s31], [sflag:s25] =	dma.local [spmem:s28], $0x500  }
0x17c: {  	_ =	swait.ge [sflag:s0], $0x500  }
0x17d: {  	[sflag:s0] =	ssyncset.done $0x0  }
0x17e: {  	s28 =	sshrl.u32 s20, $0x3;
	s31 =	rddreg [dreg:$0xb];
	[sflag:s0] =	ssyncadd.s32 $0xFFFFFB00  }
0x17f: {  	[hbm:s31], [sflag:s25] =	dma.local [spmem:s28], $0x500  }
0x180: {  	_ =	swait.ge [sflag:s0], $0x500  }
0x181: {  	[sflag:s0] =	ssyncset.done $0x0  }
0x182: {  	s28 =	sshrl.u32 s21, $0x3;
	s31 =	rddreg [dreg:$0xc];
	[sflag:s0] =	ssyncadd.s32 $0xFFFFFB00  }
0x183: {  	[hbm:s31], [sflag:s25] =	dma.local [spmem:s28], $0x500  }
0x184: {  	_ =	swait.ge [sflag:s0], $0x500  }
0x185: {  	[sflag:s0] =	ssyncset.done $0x0  }
0x186: {  	s28 =	sshrl.u32 @!p0 s22, $0x3;
	s29 =	rddreg [dreg:$0xd];
	[sflag:s0] =	ssyncadd.s32 $0xFFFFFB00  }
0x187: {  	[hbm:s29], [sflag:s25] =	dma.local @!p0 [spmem:s28], $0x500  }
0x188: {  	s28 =	simm.s32 @!p0 $0x4  }
0x189: {  	_ =	swait.ge @!p0 [sflag:s28], $0x500  }
0x18a: {  	[sflag:s28] =	ssyncset.done @!p0 $0x0  }
0x18b: {  	s31 =	rddreg [dreg:$0x11];
	[sflag:s28] =	ssyncadd.s32 @!p0 $0xFFFFFB00;
	s28 =	sshrl.u32 s24, $0x3  }
0x18c: {  	[hbm:s31], [sflag:s25] =	dma.local [spmem:s28], $0x500  }
0x18d: {  	_ =	swait.ge [sflag:s0], $0x500  }
0x18e: {  	s23 =	sadd.s32 $0x1, s23;
	s31 =	rddreg [dreg:$0x12]  }
0x18f: {  	p1 =	sne.s32 s23, s31  }
.Ltmp2:
0x190: {  	_ = 	snop;
	(pc) =	sbr.rel @p1 .LBB2_1-.Ltmp2, $3  }
0x191: {  	_ =	sdelay $0x1  }
0x192: {  	[sflag:s0] =	ssyncset.done $0x0  }
0x193: {  	[sflag:s0] =	ssyncadd.s32 $0xFFFFFB00  }
0x194: {  	_ =	sfence.sel $0x180000  }
0x195: {  	[bflag:$0x0] =	sbarrier.arrive $0xFFFF  }
0x196: {  	_ =	strace $0x90000047  }
0x197: {  	s0 =	stileid.u32;
	[bflag:$0x2] =	sbarrier.arrive $0xFFFF  }
0x198: {  	p0 =	sne.s32 s0, $0x0;
	s0 =	rddreg [dreg:$0x5]  }
0x199: {  	s0 =	sadd.s32 @!p0 $0x100000, s0  }
0x19a: {  	[sflag:s0] =	ssyncadd.tile.s32 @!p0 $0x1;
	_ =	shalt  }
.Lfunc_end2:
_tile_overlayer_lowered:
.L_overlay_start_2:
0x19b: {  	(tag) =	ssettag $0x2  }
0x19c: {  	s0 =	rddreg [dreg:$0x0];
	s2 =	stileid.u32  }
0x19d: {  	s1 =	rddreg [dreg:$0x1];
	p0 =	sne.s32 s2, $0x0  }
0x19e: {  	s3 =	rddreg [dreg:$0x2];
	[bflag:$0x3] =	sbarrier.arrive $0xFFFF;
	s2 =	simm.s32 @!p0 $0x1C04  }
0x19f: {  	[timem:s3], [sflag:s2] =	dma.local @!p0 [hbm:s0], s1  }
0x1a0: {  	s0 =	simm.s32 @!p0 $0x4  }
0x1a1: {  	_ =	swait.ge @!p0 [sflag:s0], s1  }
0x1a2: {  	s1 =	ssub.s32 @!p0 $0x0, s1;
	[sflag:s0] =	ssyncset.done @!p0 $0x0  }
0x1a3: {  	[sflag:s0] =	ssyncadd.s32 @!p0 s1  }
0x1a4: {  	[bflag:$0x3] =	sbarrier.arrive $0xFFFF  }
0x1a5: {  	_ =	shalt  }

</sc_bundles>
